<compile_context>
chip_gen: v7x
topology: tpu7x:2x2x1
jax: 0.10.2.dev20260603
libtpu: 0.0.44.dev20260713+nightly
codegen_flags: <defaults>
</compile_context>

<pallas_src>
import functools

import jax
import jax.numpy as jnp
from jax import lax
from jax.experimental import pallas as pl
from jax.experimental.pallas import tpu as pltpu
from jax.experimental.pallas import tpu_sc as plsc

T = 2048
D = 1024
E = 64
F = 512
K = 2
BM = 64
P = 8192
NB = P // BM


CH = 128
NCH = T // CH


def _router_body(x_ref, gw_ref, d0_ref, d1_ref, w1_ref, w2_ref,
                 be_ref, used_ref):
    x = x_ref[...]
    gw = gw_ref[...]
    logits = jax.lax.dot_general(x, gw, (((1,), (1,)), ((), ())),
                                 preferred_element_type=jnp.float32)
    m1 = jnp.max(logits, axis=1, keepdims=True)
    iota = jax.lax.broadcasted_iota(jnp.int32, logits.shape, 1)
    big = jnp.int32(1 << 30)
    i1 = jnp.min(jnp.where(logits == m1, iota, big), axis=1, keepdims=True)
    mask1 = iota == i1
    m2 = jnp.max(jnp.where(mask1, -jnp.inf, logits), axis=1, keepdims=True)
    i2 = jnp.min(jnp.where((logits == m2) & (~mask1), iota, big),
                 axis=1, keepdims=True)
    w1 = 1.0 / (1.0 + jnp.exp(m2 - m1))
    w1_ref[...] = w1
    w2_ref[...] = 1.0 - w1

    oh1 = (iota == i1).astype(jnp.float32)
    oh2 = (iota == i2).astype(jnp.float32)
    ohc = oh1 + oh2
    ri = jax.lax.broadcasted_iota(jnp.int32, (CH, CH), 0)
    ci = jax.lax.broadcasted_iota(jnp.int32, (CH, CH), 1)
    tril = (ci < ri).astype(jnp.float32)
    base_rows = []
    running = jnp.zeros((1, E), jnp.float32)
    for c in range(NCH):
        chunk = ohc[c * CH:(c + 1) * CH]
        excl = jnp.dot(tril, chunk, preferred_element_type=jnp.float32)
        base_rows.append(excl + running)
        running = running + jnp.sum(chunk, axis=0, keepdims=True)
    base = jnp.concatenate(base_rows, axis=0)
    counts = running

    nblk = jnp.ceil(counts / BM)
    ei = jax.lax.broadcasted_iota(jnp.int32, (E, E), 0)
    ej = jax.lax.broadcasted_iota(jnp.int32, (E, E), 1)
    triu_inc = (ei <= ej).astype(jnp.float32)
    bend = jnp.dot(nblk, triu_inc, preferred_element_type=jnp.float32)
    pstart = (bend - nblk) * BM
    d0 = jnp.sum(oh1 * (pstart + base), axis=1, keepdims=True)
    d1 = jnp.sum(oh2 * (pstart + base), axis=1, keepdims=True)
    d0_ref[...] = d0.astype(jnp.int32)
    d1_ref[...] = d1.astype(jnp.int32)

    used2d = jax.lax.slice(bend, (0, E - 1), (1, E))
    used = used2d[0, 0]
    used_ref[...] = used2d.astype(jnp.int32)
    blki = jax.lax.broadcasted_iota(jnp.int32, (NB, E), 0).astype(jnp.float32)
    be_raw = jnp.sum((bend <= blki).astype(jnp.float32), axis=1, keepdims=True)
    eidx = jax.lax.broadcasted_iota(jnp.int32, (1, E), 1).astype(jnp.float32)
    last_e = jnp.max(jnp.where(counts > 0, eidx, -1.0))
    blk1 = jax.lax.broadcasted_iota(jnp.int32, (NB, 1), 0).astype(jnp.float32)
    be = jnp.where(blk1 < used, be_raw, last_e)
    be_ref[...] = be.astype(jnp.int32)


def _run_router(x2d, gate_w):
    out_shapes = (
        jax.ShapeDtypeStruct((T, 1), jnp.int32),
        jax.ShapeDtypeStruct((T, 1), jnp.int32),
        jax.ShapeDtypeStruct((T, 1), jnp.float32),
        jax.ShapeDtypeStruct((T, 1), jnp.float32),
        jax.ShapeDtypeStruct((NB, 1), jnp.int32),
        jax.ShapeDtypeStruct((1, 1), jnp.int32),
    )
    return pl.pallas_call(_router_body, out_shape=out_shapes)(x2d, gate_w)


def _mm_body(be_ref, used_ref, x_ref, wg_ref, wu_ref, wd_ref, rw_ref, out_ref):
    b = pl.program_id(0)

    @pl.when(b < used_ref[0])
    def _():
        x = x_ref[...].astype(jnp.bfloat16)
        g = jnp.dot(x, wg_ref[0].astype(jnp.bfloat16),
                    preferred_element_type=jnp.float32)
        u = jnp.dot(x, wu_ref[0].astype(jnp.bfloat16),
                    preferred_element_type=jnp.float32)
        act = ((g * jax.nn.sigmoid(g)) * u).astype(jnp.bfloat16)
        y = jnp.dot(act, wd_ref[0].astype(jnp.bfloat16),
                    preferred_element_type=jnp.float32)
        out_ref[...] = y * rw_ref[...]


def _run_grouped_mm(xs, w_gate, w_up, w_down, rw_sorted, be, used):
    def live(b, be_ref, used_ref):
        return (jnp.minimum(b, used_ref[0] - 1), 0)

    grid_spec = pltpu.PrefetchScalarGridSpec(
        num_scalar_prefetch=2,
        grid=(NB,),
        in_specs=[
            pl.BlockSpec((BM, D), live),
            pl.BlockSpec((1, D, F), lambda b, be_ref, u: (be_ref[b], 0, 0)),
            pl.BlockSpec((1, D, F), lambda b, be_ref, u: (be_ref[b], 0, 0)),
            pl.BlockSpec((1, F, D), lambda b, be_ref, u: (be_ref[b], 0, 0)),
            pl.BlockSpec((BM, 1), live),
        ],
        out_specs=pl.BlockSpec((BM, D), live),
    )
    return pl.pallas_call(
        _mm_body,
        grid_spec=grid_spec,
        out_shape=jax.ShapeDtypeStruct((P, D), jnp.float32),
    )(be, used, xs, w_gate, w_up, w_down, rw_sorted)


NW = 32
RPW = P // NW
CHR = 32
TPW = T // NW
CHT = 32

_SC_MESH = dict(core_axis_name="c", subcore_axis_name="s")


@functools.partial(
    pl.kernel,
    mesh=plsc.VectorSubcoreMesh(**_SC_MESH),
    out_type=jax.ShapeDtypeStruct((P, D), jnp.float32),
    scratch_types=[
        pltpu.VMEM((RPW,), jnp.int32),
        pltpu.VMEM((CHR, D), jnp.float32),
        pltpu.VMEM((CHR, D), jnp.float32),
        pltpu.SemaphoreType.DMA,
        pltpu.SemaphoreType.DMA,
        pltpu.SemaphoreType.DMA,
        pltpu.SemaphoreType.DMA,
    ],
)
def _sc_dispatch(x_hbm, src_hbm, xs_hbm, idx_v, r0_v, r1_v, g0, g1, w0, w1):
    wid = lax.axis_index("s") * 2 + lax.axis_index("c")
    base = wid * RPW
    nchk = RPW // CHR
    rows, gsem, wsem = (r0_v, r1_v), (g0, g1), (w0, w1)
    gcp = [None, None]
    wcp = [None, None]
    pltpu.sync_copy(src_hbm.at[pl.ds(base, RPW)], idx_v)
    gcp[0] = pltpu.async_copy(x_hbm.at[idx_v.at[pl.ds(0, CHR)]], r0_v, g0)
    for c in range(nchk):
        b = c % 2
        nb = (c + 1) % 2
        if c + 1 < nchk:
            if wcp[nb] is not None:
                wcp[nb].wait()
            gcp[nb] = pltpu.async_copy(
                x_hbm.at[idx_v.at[pl.ds((c + 1) * CHR, CHR)]],
                rows[nb], gsem[nb])
        gcp[b].wait()
        wcp[b] = pltpu.async_copy(
            rows[b], xs_hbm.at[pl.ds(base + c * CHR, CHR)], wsem[b])
    wcp[(nchk - 1) % 2].wait()
    wcp[nchk % 2].wait()


@functools.partial(
    pl.kernel,
    mesh=plsc.VectorSubcoreMesh(**_SC_MESH),
    out_type=jax.ShapeDtypeStruct((T, D), jnp.float32),
    scratch_types=[
        pltpu.VMEM((CHT,), jnp.int32),
        pltpu.VMEM((CHT,), jnp.int32),
        pltpu.VMEM((CHT, D), jnp.float32),
        pltpu.VMEM((CHT, D), jnp.float32),
        pltpu.SemaphoreType.DMA,
        pltpu.SemaphoreType.DMA,
    ],
)
def _sc_combine(y_hbm, d0_hbm, d1_hbm, out_hbm, i0_v, i1_v, r0_v, r1_v,
                sem, sem2):
    wid = lax.axis_index("s") * 2 + lax.axis_index("c")
    base = wid * TPW
    nvec = D // 16
    for c in range(TPW // CHT):
        off = base + c * CHT
        pltpu.sync_copy(d0_hbm.at[pl.ds(off, CHT)], i0_v)
        pltpu.sync_copy(d1_hbm.at[pl.ds(off, CHT)], i1_v)
        cp0 = pltpu.async_copy(y_hbm.at[i0_v], r0_v, sem)
        cp1 = pltpu.async_copy(y_hbm.at[i1_v], r1_v, sem2)
        cp0.wait()
        cp1.wait()

        def body(k, carry):
            i = k // nvec
            sl = pl.ds((k % nvec) * 16, 16)
            r0_v[i, sl] = r0_v[i, sl] + r1_v[i, sl]
            return carry

        lax.fori_loop(0, CHT * nvec, body, 0)
        pltpu.sync_copy(r0_v, out_hbm.at[pl.ds(off, CHT)])


def kernel(hidden_states, gate_w, w_gate, w_up, w_down):
    b, s, d = hidden_states.shape
    x2d = hidden_states.reshape(-1, d)

    d0, d1, w1, w2, be, used = _run_router(x2d, gate_w)

    dest = jnp.concatenate([d0, d1], axis=1).reshape(-1)
    rwflat = jnp.concatenate([w1, w2], axis=1).reshape(-1)
    src_idx = jnp.zeros(P, jnp.int32).at[dest].set(
        (jnp.arange(T * K) // K).astype(jnp.int32))
    rw_sorted = jnp.zeros((P, 1), jnp.float32).at[dest, 0].set(rwflat)

    xs = _sc_dispatch(x2d, src_idx)

    y = _run_grouped_mm(xs, w_gate, w_up, w_down, rw_sorted,
                        be.reshape(-1), used.reshape(-1))

    out = _sc_combine(y, d0.reshape(-1), d1.reshape(-1))
    return out.reshape(b, s, d)

# --- scband reference (transcript-rebuilt; emitter-appended) ---
"""Pipeline reference for scband-hierarchical-mo-e-1520418423053 (READ-ONLY COPY).

The authoritative reference and input builder live on the scoring server;
editing this copy changes nothing except your own understanding.
"""

import jax, jax.numpy as jnp
import numpy as np

B, S, D, E, F, TOP_K = 1, 2048, 1024, 64, 512, 2

def setup_inputs(seed: int = 0) -> dict:
    key = jax.random.key(seed)
    ks = jax.random.split(key, 5)
    hidden_states = jax.random.normal(ks[0], (B, S, D), dtype=jnp.float32)
    gate_w = jax.random.normal(ks[1], (E, D), dtype=jnp.float32) * 0.02   # router: nn.Linear(D, E, bias=False) weight [E, D]
    w_gate = jax.random.normal(ks[2], (E, D, F), dtype=jnp.float32) * 0.02  # per-expert gate_proj
    w_up   = jax.random.normal(ks[3], (E, D, F), dtype=jnp.float32) * 0.02  # per-expert up_proj
    w_down = jax.random.normal(ks[4], (E, F, D), dtype=jnp.float32) * 0.02  # per-expert down_proj
    return {"hidden_states": hidden_states, "gate_w": gate_w, "w_gate": w_gate, "w_up": w_up, "w_down": w_down}

def reference(hidden_states, gate_w, w_gate, w_up, w_down):
    b, s, d = hidden_states.shape
    x = hidden_states.reshape(-1, d)                      # [T, D]
    router_logits = x @ gate_w.T                          # [T, E]
    routing_weights = jax.nn.softmax(router_logits.astype(jnp.float32), axis=1)
    rw, selected = jax.lax.top_k(routing_weights, TOP_K)  # [T, k], [T, k]
    rw = rw / jnp.sum(rw, axis=-1, keepdims=True)
    rw = rw.astype(hidden_states.dtype)
    n_exp = gate_w.shape[0]
    # Dense-equivalent routing: per-token, per-expert combine weight (zero for unselected experts).
    onehot = jax.nn.one_hot(selected, n_exp, dtype=rw.dtype)   # [T, k, E]
    w_te = jnp.einsum('tk,tke->te', rw, onehot)                # [T, E]
    final = jnp.zeros_like(x)
    for e in range(n_exp):
        g = x @ w_gate[e]
        u = x @ w_up[e]
        out_e = (jax.nn.silu(g) * u) @ w_down[e]               # Qwen3MLP: down(silu(gate(x)) * up(x))
        final = final + out_e * w_te[:, e:e+1]
    return final.reshape(b, s, d)

if __name__ == "__main__":
    import jax
    _d = setup_inputs()
    print(jax.jit(kernel)(*tuple(_d.values())))

</pallas_src>

<mosaic_0001>
#map = affine_map<(d0, d1) -> (0, 0)>
#map1 = affine_map<(d0, d1) -> (0)>
module attributes {stable_mosaic.version = 14 : i64} {
  func.func @_sc_dispatch(%arg0: i32, %arg1: i32, %arg2: memref<2048x1024xf32, #tpu.memory_space<hbm>>, %arg3: memref<8192xi32, #tpu.memory_space<hbm>>, %arg4: memref<8192x1024xf32, #tpu.memory_space<hbm>>, %arg5: memref<256xi32, #tpu.memory_space<vmem>>, %arg6: memref<32x1024xf32, #tpu.memory_space<vmem>>, %arg7: memref<32x1024xf32, #tpu.memory_space<vmem>>, %arg8: memref<!tpu.dma_semaphore, #tpu.memory_space<semaphore_mem>>, %arg9: memref<!tpu.dma_semaphore, #tpu.memory_space<semaphore_mem>>, %arg10: memref<!tpu.dma_semaphore, #tpu.memory_space<semaphore_mem>>, %arg11: memref<!tpu.dma_semaphore, #tpu.memory_space<semaphore_mem>>) attributes {dimension_semantics = [#tpu.dimension_semantics<core_parallel>, #tpu.dimension_semantics<subcore_parallel>], iteration_bounds = array<i64: 2, 16>, scalar_prefetch = 0 : i64, scratch_operands = 7 : i64, tpu.core_type = #tpu.core_type<sc_vector_subcore>, window_params = [{transform_indices = #map}, {transform_indices = #map1}, {transform_indices = #map}]} {
    %mul3A = arith.constant 2 : i32
    %mul3A_0 = arith.muli %arg1, %mul3A : i32
    %add3A = arith.addi %mul3A_0, %arg0 : i32
    %mul3A_1 = arith.constant 256 : i32
    %mul3A_2 = arith.muli %add3A, %mul3A_1 : i32
    "tpu.region"() ({
      %run_scoped3A = tpu.sem_alloc : memref<!tpu.dma_semaphore, #tpu.memory_space<semaphore_mem>>
      %dma_start3A_161 = tpu.memref_slice %arg3[%mul3A_2] : memref<8192xi32, #tpu.memory_space<hbm>> -> memref<256xi32, #tpu.memory_space<hbm>>
      %dma_start3A_162 = tpu.memref_slice %arg3[%mul3A_2] : memref<8192xi32, #tpu.memory_space<hbm>> -> memref<256xi32, #tpu.memory_space<hbm>>
      tpu.enqueue_dma source(%dma_start3A_162 : memref<256xi32, #tpu.memory_space<hbm>>) target(%arg5 : memref<256xi32, #tpu.memory_space<vmem>>) target_semaphore(%run_scoped3A : memref<!tpu.dma_semaphore, #tpu.memory_space<semaphore_mem>>)
      %dma_wait3A_163 = tpu.memref_slice %arg3[%mul3A_2] : memref<8192xi32, #tpu.memory_space<hbm>> -> memref<256xi32, #tpu.memory_space<hbm>>
      %dma_wait3A_164 = tpu.memref_slice %arg3[%mul3A_2] : memref<8192xi32, #tpu.memory_space<hbm>> -> memref<256xi32, #tpu.memory_space<hbm>>
      tpu.wait_dma2 semaphore(%run_scoped3A : memref<!tpu.dma_semaphore, #tpu.memory_space<semaphore_mem>>) src(%dma_wait3A_164 : memref<256xi32, #tpu.memory_space<hbm>>) dst(%arg5 : memref<256xi32, #tpu.memory_space<vmem>>)
      tpu.yield
    }) : () -> ()
    %dma_start3A = arith.constant 0 : i32
    %dma_start3A_3 = tpu.memref_slice %arg5[%dma_start3A] : memref<256xi32, #tpu.memory_space<vmem>> -> memref<32xi32, #tpu.memory_space<vmem>>
    %dma_start3A_4 = arith.constant 0 : i32
    %dma_start3A_5 = arith.constant 0 : i32
    %dma_start3A_6 = tpu.memref_slice %arg2[%dma_start3A_4, %dma_start3A_5] : memref<2048x1024xf32, #tpu.memory_space<hbm>> -> memref<2048x1024xf32, #tpu.memory_space<hbm>>
    tpu.enqueue_indirect_dma source(%dma_start3A_6 : memref<2048x1024xf32, #tpu.memory_space<hbm>>) target(%arg6 : memref<32x1024xf32, #tpu.memory_space<vmem>>) offsets(%dma_start3A_3 : memref<32xi32, #tpu.memory_space<vmem>>) semaphore(%arg8 : memref<!tpu.dma_semaphore, #tpu.memory_space<semaphore_mem>>)
    %dma_start3A_7 = arith.constant 32 : i32
    %dma_start3A_8 = tpu.memref_slice %arg5[%dma_start3A_7] : memref<256xi32, #tpu.memory_space<vmem>> -> memref<32xi32, #tpu.memory_space<vmem>>
    %dma_start3A_9 = arith.constant 0 : i32
    %dma_start3A_10 = arith.constant 0 : i32
    %dma_start3A_11 = tpu.memref_slice %arg2[%dma_start3A_9, %dma_start3A_10] : memref<2048x1024xf32, #tpu.memory_space<hbm>> -> memref<2048x1024xf32, #tpu.memory_space<hbm>>
    tpu.enqueue_indirect_dma source(%dma_start3A_11 : memref<2048x1024xf32, #tpu.memory_space<hbm>>) target(%arg7 : memref<32x1024xf32, #tpu.memory_space<vmem>>) offsets(%dma_start3A_8 : memref<32xi32, #tpu.memory_space<vmem>>) semaphore(%arg9 : memref<!tpu.dma_semaphore, #tpu.memory_space<semaphore_mem>>)
    %dma_wait3A = arith.constant 0 : i32
    %dma_wait3A_12 = tpu.memref_slice %arg5[%dma_wait3A] : memref<256xi32, #tpu.memory_space<vmem>> -> memref<32xi32, #tpu.memory_space<vmem>>
    %dma_wait3A_13 = arith.constant 0 : i32
    %dma_wait3A_14 = arith.constant 0 : i32
    %dma_wait3A_15 = tpu.memref_slice %arg2[%dma_wait3A_13, %dma_wait3A_14] : memref<2048x1024xf32, #tpu.memory_space<hbm>> -> memref<2048x1024xf32, #tpu.memory_space<hbm>>
    tpu.wait_indirect_dma semaphore(%arg8 : memref<!tpu.dma_semaphore, #tpu.memory_space<semaphore_mem>>) src(%dma_wait3A_15 : memref<2048x1024xf32, #tpu.memory_space<hbm>>) dst(%arg6 : memref<32x1024xf32, #tpu.memory_space<vmem>>)
    %add3A_16 = arith.constant 0 : i32
    %add3A_17 = arith.addi %mul3A_2, %add3A_16 : i32
    %dma_start3A_18 = arith.constant 0 : i32
    %dma_start3A_19 = tpu.memref_slice %arg4[%add3A_17, %dma_start3A_18] : memref<8192x1024xf32, #tpu.memory_space<hbm>> -> memref<32x1024xf32, #tpu.memory_space<hbm>>
    %dma_start3A_20 = arith.constant 0 : i32
    %dma_start3A_21 = tpu.memref_slice %arg4[%add3A_17, %dma_start3A_20] : memref<8192x1024xf32, #tpu.memory_space<hbm>> -> memref<32x1024xf32, #tpu.memory_space<hbm>>
    tpu.enqueue_dma source(%arg6 : memref<32x1024xf32, #tpu.memory_space<vmem>>) target(%dma_start3A_21 : memref<32x1024xf32, #tpu.memory_space<hbm>>) target_semaphore(%arg10 : memref<!tpu.dma_semaphore, #tpu.memory_space<semaphore_mem>>)
    %dma_wait3A_22 = arith.constant 0 : i32
    %dma_wait3A_23 = tpu.memref_slice %arg4[%add3A_17, %dma_wait3A_22] : memref<8192x1024xf32, #tpu.memory_space<hbm>> -> memref<32x1024xf32, #tpu.memory_space<hbm>>
    %dma_wait3A_24 = arith.constant 0 : i32
    %dma_wait3A_25 = tpu.memref_slice %arg4[%add3A_17, %dma_wait3A_24] : memref<8192x1024xf32, #tpu.memory_space<hbm>> -> memref<32x1024xf32, #tpu.memory_space<hbm>>
    tpu.wait_dma2 semaphore(%arg10 : memref<!tpu.dma_semaphore, #tpu.memory_space<semaphore_mem>>) src(%arg6 : memref<32x1024xf32, #tpu.memory_space<vmem>>) dst(%dma_wait3A_25 : memref<32x1024xf32, #tpu.memory_space<hbm>>)
    %dma_start3A_26 = arith.constant 64 : i32
    %dma_start3A_27 = tpu.memref_slice %arg5[%dma_start3A_26] : memref<256xi32, #tpu.memory_space<vmem>> -> memref<32xi32, #tpu.memory_space<vmem>>
    %dma_start3A_28 = arith.constant 0 : i32
    %dma_start3A_29 = arith.constant 0 : i32
    %dma_start3A_30 = tpu.memref_slice %arg2[%dma_start3A_28, %dma_start3A_29] : memref<2048x1024xf32, #tpu.memory_space<hbm>> -> memref<2048x1024xf32, #tpu.memory_space<hbm>>
    tpu.enqueue_indirect_dma source(%dma_start3A_30 : memref<2048x1024xf32, #tpu.memory_space<hbm>>) target(%arg6 : memref<32x1024xf32, #tpu.memory_space<vmem>>) offsets(%dma_start3A_27 : memref<32xi32, #tpu.memory_space<vmem>>) semaphore(%arg8 : memref<!tpu.dma_semaphore, #tpu.memory_space<semaphore_mem>>)
    %dma_wait3A_31 = arith.constant 32 : i32
    %dma_wait3A_32 = tpu.memref_slice %arg5[%dma_wait3A_31] : memref<256xi32, #tpu.memory_space<vmem>> -> memref<32xi32, #tpu.memory_space<vmem>>
    %dma_wait3A_33 = arith.constant 0 : i32
    %dma_wait3A_34 = arith.constant 0 : i32
    %dma_wait3A_35 = tpu.memref_slice %arg2[%dma_wait3A_33, %dma_wait3A_34] : memref<2048x1024xf32, #tpu.memory_space<hbm>> -> memref<2048x1024xf32, #tpu.memory_space<hbm>>
    tpu.wait_indirect_dma semaphore(%arg9 : memref<!tpu.dma_semaphore, #tpu.memory_space<semaphore_mem>>) src(%dma_wait3A_35 : memref<2048x1024xf32, #tpu.memory_space<hbm>>) dst(%arg7 : memref<32x1024xf32, #tpu.memory_space<vmem>>)
    %add3A_36 = arith.constant 32 : i32
    %add3A_37 = arith.addi %mul3A_2, %add3A_36 : i32
    %dma_start3A_38 = arith.constant 0 : i32
    %dma_start3A_39 = tpu.memref_slice %arg4[%add3A_37, %dma_start3A_38] : memref<8192x1024xf32, #tpu.memory_space<hbm>> -> memref<32x1024xf32, #tpu.memory_space<hbm>>
    %dma_start3A_40 = arith.constant 0 : i32
    %dma_start3A_41 = tpu.memref_slice %arg4[%add3A_37, %dma_start3A_40] : memref<8192x1024xf32, #tpu.memory_space<hbm>> -> memref<32x1024xf32, #tpu.memory_space<hbm>>
    tpu.enqueue_dma source(%arg7 : memref<32x1024xf32, #tpu.memory_space<vmem>>) target(%dma_start3A_41 : memref<32x1024xf32, #tpu.memory_space<hbm>>) target_semaphore(%arg11 : memref<!tpu.dma_semaphore, #tpu.memory_space<semaphore_mem>>)
    %dma_wait3A_42 = arith.constant 0 : i32
    %dma_wait3A_43 = tpu.memref_slice %arg4[%add3A_37, %dma_wait3A_42] : memref<8192x1024xf32, #tpu.memory_space<hbm>> -> memref<32x1024xf32, #tpu.memory_space<hbm>>
    %dma_wait3A_44 = arith.constant 0 : i32
    %dma_wait3A_45 = tpu.memref_slice %arg4[%add3A_37, %dma_wait3A_44] : memref<8192x1024xf32, #tpu.memory_space<hbm>> -> memref<32x1024xf32, #tpu.memory_space<hbm>>
    tpu.wait_dma2 semaphore(%arg11 : memref<!tpu.dma_semaphore, #tpu.memory_space<semaphore_mem>>) src(%arg7 : memref<32x1024xf32, #tpu.memory_space<vmem>>) dst(%dma_wait3A_45 : memref<32x1024xf32, #tpu.memory_space<hbm>>)
    %dma_start3A_46 = arith.constant 96 : i32
    %dma_start3A_47 = tpu.memref_slice %arg5[%dma_start3A_46] : memref<256xi32, #tpu.memory_space<vmem>> -> memref<32xi32, #tpu.memory_space<vmem>>
    %dma_start3A_48 = arith.constant 0 : i32
    %dma_start3A_49 = arith.constant 0 : i32
    %dma_start3A_50 = tpu.memref_slice %arg2[%dma_start3A_48, %dma_start3A_49] : memref<2048x1024xf32, #tpu.memory_space<hbm>> -> memref<2048x1024xf32, #tpu.memory_space<hbm>>
    tpu.enqueue_indirect_dma source(%dma_start3A_50 : memref<2048x1024xf32, #tpu.memory_space<hbm>>) target(%arg7 : memref<32x1024xf32, #tpu.memory_space<vmem>>) offsets(%dma_start3A_47 : memref<32xi32, #tpu.memory_space<vmem>>) semaphore(%arg9 : memref<!tpu.dma_semaphore, #tpu.memory_space<semaphore_mem>>)
    %dma_wait3A_51 = arith.constant 64 : i32
    %dma_wait3A_52 = tpu.memref_slice %arg5[%dma_wait3A_51] : memref<256xi32, #tpu.memory_space<vmem>> -> memref<32xi32, #tpu.memory_space<vmem>>
    %dma_wait3A_53 = arith.constant 0 : i32
    %dma_wait3A_54 = arith.constant 0 : i32
    %dma_wait3A_55 = tpu.memref_slice %arg2[%dma_wait3A_53, %dma_wait3A_54] : memref<2048x1024xf32, #tpu.memory_space<hbm>> -> memref<2048x1024xf32, #tpu.memory_space<hbm>>
    tpu.wait_indirect_dma semaphore(%arg8 : memref<!tpu.dma_semaphore, #tpu.memory_space<semaphore_mem>>) src(%dma_wait3A_55 : memref<2048x1024xf32, #tpu.memory_space<hbm>>) dst(%arg6 : memref<32x1024xf32, #tpu.memory_space<vmem>>)
    %add3A_56 = arith.constant 64 : i32
    %add3A_57 = arith.addi %mul3A_2, %add3A_56 : i32
    %dma_start3A_58 = arith.constant 0 : i32
    %dma_start3A_59 = tpu.memref_slice %arg4[%add3A_57, %dma_start3A_58] : memref<8192x1024xf32, #tpu.memory_space<hbm>> -> memref<32x1024xf32, #tpu.memory_space<hbm>>
    %dma_start3A_60 = arith.constant 0 : i32
    %dma_start3A_61 = tpu.memref_slice %arg4[%add3A_57, %dma_start3A_60] : memref<8192x1024xf32, #tpu.memory_space<hbm>> -> memref<32x1024xf32, #tpu.memory_space<hbm>>
    tpu.enqueue_dma source(%arg6 : memref<32x1024xf32, #tpu.memory_space<vmem>>) target(%dma_start3A_61 : memref<32x1024xf32, #tpu.memory_space<hbm>>) target_semaphore(%arg10 : memref<!tpu.dma_semaphore, #tpu.memory_space<semaphore_mem>>)
    %dma_wait3A_62 = arith.constant 0 : i32
    %dma_wait3A_63 = tpu.memref_slice %arg4[%add3A_57, %dma_wait3A_62] : memref<8192x1024xf32, #tpu.memory_space<hbm>> -> memref<32x1024xf32, #tpu.memory_space<hbm>>
    %dma_wait3A_64 = arith.constant 0 : i32
    %dma_wait3A_65 = tpu.memref_slice %arg4[%add3A_57, %dma_wait3A_64] : memref<8192x1024xf32, #tpu.memory_space<hbm>> -> memref<32x1024xf32, #tpu.memory_space<hbm>>
    tpu.wait_dma2 semaphore(%arg10 : memref<!tpu.dma_semaphore, #tpu.memory_space<semaphore_mem>>) src(%arg6 : memref<32x1024xf32, #tpu.memory_space<vmem>>) dst(%dma_wait3A_65 : memref<32x1024xf32, #tpu.memory_space<hbm>>)
    %dma_start3A_66 = arith.constant 128 : i32
    %dma_start3A_67 = tpu.memref_slice %arg5[%dma_start3A_66] : memref<256xi32, #tpu.memory_space<vmem>> -> memref<32xi32, #tpu.memory_space<vmem>>
    %dma_start3A_68 = arith.constant 0 : i32
    %dma_start3A_69 = arith.constant 0 : i32
    %dma_start3A_70 = tpu.memref_slice %arg2[%dma_start3A_68, %dma_start3A_69] : memref<2048x1024xf32, #tpu.memory_space<hbm>> -> memref<2048x1024xf32, #tpu.memory_space<hbm>>
    tpu.enqueue_indirect_dma source(%dma_start3A_70 : memref<2048x1024xf32, #tpu.memory_space<hbm>>) target(%arg6 : memref<32x1024xf32, #tpu.memory_space<vmem>>) offsets(%dma_start3A_67 : memref<32xi32, #tpu.memory_space<vmem>>) semaphore(%arg8 : memref<!tpu.dma_semaphore, #tpu.memory_space<semaphore_mem>>)
    %dma_wait3A_71 = arith.constant 96 : i32
    %dma_wait3A_72 = tpu.memref_slice %arg5[%dma_wait3A_71] : memref<256xi32, #tpu.memory_space<vmem>> -> memref<32xi32, #tpu.memory_space<vmem>>
    %dma_wait3A_73 = arith.constant 0 : i32
    %dma_wait3A_74 = arith.constant 0 : i32
    %dma_wait3A_75 = tpu.memref_slice %arg2[%dma_wait3A_73, %dma_wait3A_74] : memref<2048x1024xf32, #tpu.memory_space<hbm>> -> memref<2048x1024xf32, #tpu.memory_space<hbm>>
    tpu.wait_indirect_dma semaphore(%arg9 : memref<!tpu.dma_semaphore, #tpu.memory_space<semaphore_mem>>) src(%dma_wait3A_75 : memref<2048x1024xf32, #tpu.memory_space<hbm>>) dst(%arg7 : memref<32x1024xf32, #tpu.memory_space<vmem>>)
    %add3A_76 = arith.constant 96 : i32
    %add3A_77 = arith.addi %mul3A_2, %add3A_76 : i32
    %dma_start3A_78 = arith.constant 0 : i32
    %dma_start3A_79 = tpu.memref_slice %arg4[%add3A_77, %dma_start3A_78] : memref<8192x1024xf32, #tpu.memory_space<hbm>> -> memref<32x1024xf32, #tpu.memory_space<hbm>>
    %dma_start3A_80 = arith.constant 0 : i32
    %dma_start3A_81 = tpu.memref_slice %arg4[%add3A_77, %dma_start3A_80] : memref<8192x1024xf32, #tpu.memory_space<hbm>> -> memref<32x1024xf32, #tpu.memory_space<hbm>>
    tpu.enqueue_dma source(%arg7 : memref<32x1024xf32, #tpu.memory_space<vmem>>) target(%dma_start3A_81 : memref<32x1024xf32, #tpu.memory_space<hbm>>) target_semaphore(%arg11 : memref<!tpu.dma_semaphore, #tpu.memory_space<semaphore_mem>>)
    %dma_wait3A_82 = arith.constant 0 : i32
    %dma_wait3A_83 = tpu.memref_slice %arg4[%add3A_77, %dma_wait3A_82] : memref<8192x1024xf32, #tpu.memory_space<hbm>> -> memref<32x1024xf32, #tpu.memory_space<hbm>>
    %dma_wait3A_84 = arith.constant 0 : i32
    %dma_wait3A_85 = tpu.memref_slice %arg4[%add3A_77, %dma_wait3A_84] : memref<8192x1024xf32, #tpu.memory_space<hbm>> -> memref<32x1024xf32, #tpu.memory_space<hbm>>
    tpu.wait_dma2 semaphore(%arg11 : memref<!tpu.dma_semaphore, #tpu.memory_space<semaphore_mem>>) src(%arg7 : memref<32x1024xf32, #tpu.memory_space<vmem>>) dst(%dma_wait3A_85 : memref<32x1024xf32, #tpu.memory_space<hbm>>)
    %dma_start3A_86 = arith.constant 160 : i32
    %dma_start3A_87 = tpu.memref_slice %arg5[%dma_start3A_86] : memref<256xi32, #tpu.memory_space<vmem>> -> memref<32xi32, #tpu.memory_space<vmem>>
    %dma_start3A_88 = arith.constant 0 : i32
    %dma_start3A_89 = arith.constant 0 : i32
    %dma_start3A_90 = tpu.memref_slice %arg2[%dma_start3A_88, %dma_start3A_89] : memref<2048x1024xf32, #tpu.memory_space<hbm>> -> memref<2048x1024xf32, #tpu.memory_space<hbm>>
    tpu.enqueue_indirect_dma source(%dma_start3A_90 : memref<2048x1024xf32, #tpu.memory_space<hbm>>) target(%arg7 : memref<32x1024xf32, #tpu.memory_space<vmem>>) offsets(%dma_start3A_87 : memref<32xi32, #tpu.memory_space<vmem>>) semaphore(%arg9 : memref<!tpu.dma_semaphore, #tpu.memory_space<semaphore_mem>>)
    %dma_wait3A_91 = arith.constant 128 : i32
    %dma_wait3A_92 = tpu.memref_slice %arg5[%dma_wait3A_91] : memref<256xi32, #tpu.memory_space<vmem>> -> memref<32xi32, #tpu.memory_space<vmem>>
    %dma_wait3A_93 = arith.constant 0 : i32
    %dma_wait3A_94 = arith.constant 0 : i32
    %dma_wait3A_95 = tpu.memref_slice %arg2[%dma_wait3A_93, %dma_wait3A_94] : memref<2048x1024xf32, #tpu.memory_space<hbm>> -> memref<2048x1024xf32, #tpu.memory_space<hbm>>
    tpu.wait_indirect_dma semaphore(%arg8 : memref<!tpu.dma_semaphore, #tpu.memory_space<semaphore_mem>>) src(%dma_wait3A_95 : memref<2048x1024xf32, #tpu.memory_space<hbm>>) dst(%arg6 : memref<32x1024xf32, #tpu.memory_space<vmem>>)
    %add3A_96 = arith.constant 128 : i32
    %add3A_97 = arith.addi %mul3A_2, %add3A_96 : i32
    %dma_start3A_98 = arith.constant 0 : i32
    %dma_start3A_99 = tpu.memref_slice %arg4[%add3A_97, %dma_start3A_98] : memref<8192x1024xf32, #tpu.memory_space<hbm>> -> memref<32x1024xf32, #tpu.memory_space<hbm>>
    %dma_start3A_100 = arith.constant 0 : i32
    %dma_start3A_101 = tpu.memref_slice %arg4[%add3A_97, %dma_start3A_100] : memref<8192x1024xf32, #tpu.memory_space<hbm>> -> memref<32x1024xf32, #tpu.memory_space<hbm>>
    tpu.enqueue_dma source(%arg6 : memref<32x1024xf32, #tpu.memory_space<vmem>>) target(%dma_start3A_101 : memref<32x1024xf32, #tpu.memory_space<hbm>>) target_semaphore(%arg10 : memref<!tpu.dma_semaphore, #tpu.memory_space<semaphore_mem>>)
    %dma_wait3A_102 = arith.constant 0 : i32
    %dma_wait3A_103 = tpu.memref_slice %arg4[%add3A_97, %dma_wait3A_102] : memref<8192x1024xf32, #tpu.memory_space<hbm>> -> memref<32x1024xf32, #tpu.memory_space<hbm>>
    %dma_wait3A_104 = arith.constant 0 : i32
    %dma_wait3A_105 = tpu.memref_slice %arg4[%add3A_97, %dma_wait3A_104] : memref<8192x1024xf32, #tpu.memory_space<hbm>> -> memref<32x1024xf32, #tpu.memory_space<hbm>>
    tpu.wait_dma2 semaphore(%arg10 : memref<!tpu.dma_semaphore, #tpu.memory_space<semaphore_mem>>) src(%arg6 : memref<32x1024xf32, #tpu.memory_space<vmem>>) dst(%dma_wait3A_105 : memref<32x1024xf32, #tpu.memory_space<hbm>>)
    %dma_start3A_106 = arith.constant 192 : i32
    %dma_start3A_107 = tpu.memref_slice %arg5[%dma_start3A_106] : memref<256xi32, #tpu.memory_space<vmem>> -> memref<32xi32, #tpu.memory_space<vmem>>
    %dma_start3A_108 = arith.constant 0 : i32
    %dma_start3A_109 = arith.constant 0 : i32
    %dma_start3A_110 = tpu.memref_slice %arg2[%dma_start3A_108, %dma_start3A_109] : memref<2048x1024xf32, #tpu.memory_space<hbm>> -> memref<2048x1024xf32, #tpu.memory_space<hbm>>
    tpu.enqueue_indirect_dma source(%dma_start3A_110 : memref<2048x1024xf32, #tpu.memory_space<hbm>>) target(%arg6 : memref<32x1024xf32, #tpu.memory_space<vmem>>) offsets(%dma_start3A_107 : memref<32xi32, #tpu.memory_space<vmem>>) semaphore(%arg8 : memref<!tpu.dma_semaphore, #tpu.memory_space<semaphore_mem>>)
    %dma_wait3A_111 = arith.constant 160 : i32
    %dma_wait3A_112 = tpu.memref_slice %arg5[%dma_wait3A_111] : memref<256xi32, #tpu.memory_space<vmem>> -> memref<32xi32, #tpu.memory_space<vmem>>
    %dma_wait3A_113 = arith.constant 0 : i32
    %dma_wait3A_114 = arith.constant 0 : i32
    %dma_wait3A_115 = tpu.memref_slice %arg2[%dma_wait3A_113, %dma_wait3A_114] : memref<2048x1024xf32, #tpu.memory_space<hbm>> -> memref<2048x1024xf32, #tpu.memory_space<hbm>>
    tpu.wait_indirect_dma semaphore(%arg9 : memref<!tpu.dma_semaphore, #tpu.memory_space<semaphore_mem>>) src(%dma_wait3A_115 : memref<2048x1024xf32, #tpu.memory_space<hbm>>) dst(%arg7 : memref<32x1024xf32, #tpu.memory_space<vmem>>)
    %add3A_116 = arith.constant 160 : i32
    %add3A_117 = arith.addi %mul3A_2, %add3A_116 : i32
    %dma_start3A_118 = arith.constant 0 : i32
    %dma_start3A_119 = tpu.memref_slice %arg4[%add3A_117, %dma_start3A_118] : memref<8192x1024xf32, #tpu.memory_space<hbm>> -> memref<32x1024xf32, #tpu.memory_space<hbm>>
    %dma_start3A_120 = arith.constant 0 : i32
    %dma_start3A_121 = tpu.memref_slice %arg4[%add3A_117, %dma_start3A_120] : memref<8192x1024xf32, #tpu.memory_space<hbm>> -> memref<32x1024xf32, #tpu.memory_space<hbm>>
    tpu.enqueue_dma source(%arg7 : memref<32x1024xf32, #tpu.memory_space<vmem>>) target(%dma_start3A_121 : memref<32x1024xf32, #tpu.memory_space<hbm>>) target_semaphore(%arg11 : memref<!tpu.dma_semaphore, #tpu.memory_space<semaphore_mem>>)
    %dma_wait3A_122 = arith.constant 0 : i32
    %dma_wait3A_123 = tpu.memref_slice %arg4[%add3A_117, %dma_wait3A_122] : memref<8192x1024xf32, #tpu.memory_space<hbm>> -> memref<32x1024xf32, #tpu.memory_space<hbm>>
    %dma_wait3A_124 = arith.constant 0 : i32
    %dma_wait3A_125 = tpu.memref_slice %arg4[%add3A_117, %dma_wait3A_124] : memref<8192x1024xf32, #tpu.memory_space<hbm>> -> memref<32x1024xf32, #tpu.memory_space<hbm>>
    tpu.wait_dma2 semaphore(%arg11 : memref<!tpu.dma_semaphore, #tpu.memory_space<semaphore_mem>>) src(%arg7 : memref<32x1024xf32, #tpu.memory_space<vmem>>) dst(%dma_wait3A_125 : memref<32x1024xf32, #tpu.memory_space<hbm>>)
    %dma_start3A_126 = arith.constant 224 : i32
    %dma_start3A_127 = tpu.memref_slice %arg5[%dma_start3A_126] : memref<256xi32, #tpu.memory_space<vmem>> -> memref<32xi32, #tpu.memory_space<vmem>>
    %dma_start3A_128 = arith.constant 0 : i32
    %dma_start3A_129 = arith.constant 0 : i32
    %dma_start3A_130 = tpu.memref_slice %arg2[%dma_start3A_128, %dma_start3A_129] : memref<2048x1024xf32, #tpu.memory_space<hbm>> -> memref<2048x1024xf32, #tpu.memory_space<hbm>>
    tpu.enqueue_indirect_dma source(%dma_start3A_130 : memref<2048x1024xf32, #tpu.memory_space<hbm>>) target(%arg7 : memref<32x1024xf32, #tpu.memory_space<vmem>>) offsets(%dma_start3A_127 : memref<32xi32, #tpu.memory_space<vmem>>) semaphore(%arg9 : memref<!tpu.dma_semaphore, #tpu.memory_space<semaphore_mem>>)
    %dma_wait3A_131 = arith.constant 192 : i32
    %dma_wait3A_132 = tpu.memref_slice %arg5[%dma_wait3A_131] : memref<256xi32, #tpu.memory_space<vmem>> -> memref<32xi32, #tpu.memory_space<vmem>>
    %dma_wait3A_133 = arith.constant 0 : i32
    %dma_wait3A_134 = arith.constant 0 : i32
    %dma_wait3A_135 = tpu.memref_slice %arg2[%dma_wait3A_133, %dma_wait3A_134] : memref<2048x1024xf32, #tpu.memory_space<hbm>> -> memref<2048x1024xf32, #tpu.memory_space<hbm>>
    tpu.wait_indirect_dma semaphore(%arg8 : memref<!tpu.dma_semaphore, #tpu.memory_space<semaphore_mem>>) src(%dma_wait3A_135 : memref<2048x1024xf32, #tpu.memory_space<hbm>>) dst(%arg6 : memref<32x1024xf32, #tpu.memory_space<vmem>>)
    %add3A_136 = arith.constant 192 : i32
    %add3A_137 = arith.addi %mul3A_2, %add3A_136 : i32
    %dma_start3A_138 = arith.constant 0 : i32
    %dma_start3A_139 = tpu.memref_slice %arg4[%add3A_137, %dma_start3A_138] : memref<8192x1024xf32, #tpu.memory_space<hbm>> -> memref<32x1024xf32, #tpu.memory_space<hbm>>
    %dma_start3A_140 = arith.constant 0 : i32
    %dma_start3A_141 = tpu.memref_slice %arg4[%add3A_137, %dma_start3A_140] : memref<8192x1024xf32, #tpu.memory_space<hbm>> -> memref<32x1024xf32, #tpu.memory_space<hbm>>
    tpu.enqueue_dma source(%arg6 : memref<32x1024xf32, #tpu.memory_space<vmem>>) target(%dma_start3A_141 : memref<32x1024xf32, #tpu.memory_space<hbm>>) target_semaphore(%arg10 : memref<!tpu.dma_semaphore, #tpu.memory_space<semaphore_mem>>)
    %dma_wait3A_142 = arith.constant 224 : i32
    %dma_wait3A_143 = tpu.memref_slice %arg5[%dma_wait3A_142] : memref<256xi32, #tpu.memory_space<vmem>> -> memref<32xi32, #tpu.memory_space<vmem>>
    %dma_wait3A_144 = arith.constant 0 : i32
    %dma_wait3A_145 = arith.constant 0 : i32
    %dma_wait3A_146 = tpu.memref_slice %arg2[%dma_wait3A_144, %dma_wait3A_145] : memref<2048x1024xf32, #tpu.memory_space<hbm>> -> memref<2048x1024xf32, #tpu.memory_space<hbm>>
    tpu.wait_indirect_dma semaphore(%arg9 : memref<!tpu.dma_semaphore, #tpu.memory_space<semaphore_mem>>) src(%dma_wait3A_146 : memref<2048x1024xf32, #tpu.memory_space<hbm>>) dst(%arg7 : memref<32x1024xf32, #tpu.memory_space<vmem>>)
    %add3A_147 = arith.constant 224 : i32
    %add3A_148 = arith.addi %mul3A_2, %add3A_147 : i32
    %dma_start3A_149 = arith.constant 0 : i32
    %dma_start3A_150 = tpu.memref_slice %arg4[%add3A_148, %dma_start3A_149] : memref<8192x1024xf32, #tpu.memory_space<hbm>> -> memref<32x1024xf32, #tpu.memory_space<hbm>>
    %dma_start3A_151 = arith.constant 0 : i32
    %dma_start3A_152 = tpu.memref_slice %arg4[%add3A_148, %dma_start3A_151] : memref<8192x1024xf32, #tpu.memory_space<hbm>> -> memref<32x1024xf32, #tpu.memory_space<hbm>>
    tpu.enqueue_dma source(%arg7 : memref<32x1024xf32, #tpu.memory_space<vmem>>) target(%dma_start3A_152 : memref<32x1024xf32, #tpu.memory_space<hbm>>) target_semaphore(%arg11 : memref<!tpu.dma_semaphore, #tpu.memory_space<semaphore_mem>>)
    %dma_wait3A_153 = arith.constant 0 : i32
    %dma_wait3A_154 = tpu.memref_slice %arg4[%add3A_148, %dma_wait3A_153] : memref<8192x1024xf32, #tpu.memory_space<hbm>> -> memref<32x1024xf32, #tpu.memory_space<hbm>>
    %dma_wait3A_155 = arith.constant 0 : i32
    %dma_wait3A_156 = tpu.memref_slice %arg4[%add3A_148, %dma_wait3A_155] : memref<8192x1024xf32, #tpu.memory_space<hbm>> -> memref<32x1024xf32, #tpu.memory_space<hbm>>
    tpu.wait_dma2 semaphore(%arg11 : memref<!tpu.dma_semaphore, #tpu.memory_space<semaphore_mem>>) src(%arg7 : memref<32x1024xf32, #tpu.memory_space<vmem>>) dst(%dma_wait3A_156 : memref<32x1024xf32, #tpu.memory_space<hbm>>)
    %dma_wait3A_157 = arith.constant 0 : i32
    %dma_wait3A_158 = tpu.memref_slice %arg4[%add3A_137, %dma_wait3A_157] : memref<8192x1024xf32, #tpu.memory_space<hbm>> -> memref<32x1024xf32, #tpu.memory_space<hbm>>
    %dma_wait3A_159 = arith.constant 0 : i32
    %dma_wait3A_160 = tpu.memref_slice %arg4[%add3A_137, %dma_wait3A_159] : memref<8192x1024xf32, #tpu.memory_space<hbm>> -> memref<32x1024xf32, #tpu.memory_space<hbm>>
    tpu.wait_dma2 semaphore(%arg10 : memref<!tpu.dma_semaphore, #tpu.memory_space<semaphore_mem>>) src(%arg6 : memref<32x1024xf32, #tpu.memory_space<vmem>>) dst(%dma_wait3A_160 : memref<32x1024xf32, #tpu.memory_space<hbm>>)
    return
  }
}

#map = affine_map<(d0, d1) -> (0, 0)>
#map1 = affine_map<(d0, d1) -> (0)>
module attributes {stable_mosaic.version = 14 : i64} {
  func.func @_sc_combine(%arg0: i32, %arg1: i32, %arg2: memref<8192x1024xf32, #tpu.memory_space<hbm>>, %arg3: memref<2048xi32, #tpu.memory_space<hbm>>, %arg4: memref<2048xi32, #tpu.memory_space<hbm>>, %arg5: memref<2048x1024xf32, #tpu.memory_space<hbm>>, %arg6: memref<32xi32, #tpu.memory_space<vmem>>, %arg7: memref<32xi32, #tpu.memory_space<vmem>>, %arg8: memref<32x1024xf32, #tpu.memory_space<vmem>>, %arg9: memref<32x1024xf32, #tpu.memory_space<vmem>>, %arg10: memref<!tpu.dma_semaphore, #tpu.memory_space<semaphore_mem>>, %arg11: memref<!tpu.dma_semaphore, #tpu.memory_space<semaphore_mem>>) attributes {dimension_semantics = [#tpu.dimension_semantics<core_parallel>, #tpu.dimension_semantics<subcore_parallel>], iteration_bounds = array<i64: 2, 16>, scalar_prefetch = 0 : i64, scratch_operands = 6 : i64, tpu.core_type = #tpu.core_type<sc_vector_subcore>, window_params = [{transform_indices = #map}, {transform_indices = #map1}, {transform_indices = #map1}, {transform_indices = #map}]} {
    %mul3A = arith.constant 2 : i32
    %mul3A_0 = arith.muli %arg1, %mul3A : i32
    %add3A = arith.addi %mul3A_0, %arg0 : i32
    %mul3A_1 = arith.constant 64 : i32
    %mul3A_2 = arith.muli %add3A, %mul3A_1 : i32
    %add3A_3 = arith.constant 0 : i32
    %add3A_4 = arith.addi %mul3A_2, %add3A_3 : i32
    "tpu.region"() ({
      %run_scoped3A = tpu.sem_alloc : memref<!tpu.dma_semaphore, #tpu.memory_space<semaphore_mem>>
      %dma_start3A_40 = tpu.memref_slice %arg3[%add3A_4] : memref<2048xi32, #tpu.memory_space<hbm>> -> memref<32xi32, #tpu.memory_space<hbm>>
      %dma_start3A_41 = tpu.memref_slice %arg3[%add3A_4] : memref<2048xi32, #tpu.memory_space<hbm>> -> memref<32xi32, #tpu.memory_space<hbm>>
      tpu.enqueue_dma source(%dma_start3A_41 : memref<32xi32, #tpu.memory_space<hbm>>) target(%arg6 : memref<32xi32, #tpu.memory_space<vmem>>) target_semaphore(%run_scoped3A : memref<!tpu.dma_semaphore, #tpu.memory_space<semaphore_mem>>)
      %dma_wait3A_42 = tpu.memref_slice %arg3[%add3A_4] : memref<2048xi32, #tpu.memory_space<hbm>> -> memref<32xi32, #tpu.memory_space<hbm>>
      %dma_wait3A_43 = tpu.memref_slice %arg3[%add3A_4] : memref<2048xi32, #tpu.memory_space<hbm>> -> memref<32xi32, #tpu.memory_space<hbm>>
      tpu.wait_dma2 semaphore(%run_scoped3A : memref<!tpu.dma_semaphore, #tpu.memory_space<semaphore_mem>>) src(%dma_wait3A_43 : memref<32xi32, #tpu.memory_space<hbm>>) dst(%arg6 : memref<32xi32, #tpu.memory_space<vmem>>)
      tpu.yield
    }) : () -> ()
    "tpu.region"() ({
      %run_scoped3A = tpu.sem_alloc : memref<!tpu.dma_semaphore, #tpu.memory_space<semaphore_mem>>
      %dma_start3A_40 = tpu.memref_slice %arg4[%add3A_4] : memref<2048xi32, #tpu.memory_space<hbm>> -> memref<32xi32, #tpu.memory_space<hbm>>
      %dma_start3A_41 = tpu.memref_slice %arg4[%add3A_4] : memref<2048xi32, #tpu.memory_space<hbm>> -> memref<32xi32, #tpu.memory_space<hbm>>
      tpu.enqueue_dma source(%dma_start3A_41 : memref<32xi32, #tpu.memory_space<hbm>>) target(%arg7 : memref<32xi32, #tpu.memory_space<vmem>>) target_semaphore(%run_scoped3A : memref<!tpu.dma_semaphore, #tpu.memory_space<semaphore_mem>>)
      %dma_wait3A_42 = tpu.memref_slice %arg4[%add3A_4] : memref<2048xi32, #tpu.memory_space<hbm>> -> memref<32xi32, #tpu.memory_space<hbm>>
      %dma_wait3A_43 = tpu.memref_slice %arg4[%add3A_4] : memref<2048xi32, #tpu.memory_space<hbm>> -> memref<32xi32, #tpu.memory_space<hbm>>
      tpu.wait_dma2 semaphore(%run_scoped3A : memref<!tpu.dma_semaphore, #tpu.memory_space<semaphore_mem>>) src(%dma_wait3A_43 : memref<32xi32, #tpu.memory_space<hbm>>) dst(%arg7 : memref<32xi32, #tpu.memory_space<vmem>>)
      tpu.yield
    }) : () -> ()
    %dma_start3A = arith.constant 0 : i32
    %dma_start3A_5 = arith.constant 0 : i32
    %dma_start3A_6 = tpu.memref_slice %arg2[%dma_start3A, %dma_start3A_5] : memref<8192x1024xf32, #tpu.memory_space<hbm>> -> memref<8192x1024xf32, #tpu.memory_space<hbm>>
    tpu.enqueue_indirect_dma source(%dma_start3A_6 : memref<8192x1024xf32, #tpu.memory_space<hbm>>) target(%arg8 : memref<32x1024xf32, #tpu.memory_space<vmem>>) offsets(%arg6 : memref<32xi32, #tpu.memory_space<vmem>>) semaphore(%arg10 : memref<!tpu.dma_semaphore, #tpu.memory_space<semaphore_mem>>)
    %dma_start3A_7 = arith.constant 0 : i32
    %dma_start3A_8 = arith.constant 0 : i32
    %dma_start3A_9 = tpu.memref_slice %arg2[%dma_start3A_7, %dma_start3A_8] : memref<8192x1024xf32, #tpu.memory_space<hbm>> -> memref<8192x1024xf32, #tpu.memory_space<hbm>>
    tpu.enqueue_indirect_dma source(%dma_start3A_9 : memref<8192x1024xf32, #tpu.memory_space<hbm>>) target(%arg9 : memref<32x1024xf32, #tpu.memory_space<vmem>>) offsets(%arg7 : memref<32xi32, #tpu.memory_space<vmem>>) semaphore(%arg11 : memref<!tpu.dma_semaphore, #tpu.memory_space<semaphore_mem>>)
    %dma_wait3A = arith.constant 0 : i32
    %dma_wait3A_10 = arith.constant 0 : i32
    %dma_wait3A_11 = tpu.memref_slice %arg2[%dma_wait3A, %dma_wait3A_10] : memref<8192x1024xf32, #tpu.memory_space<hbm>> -> memref<8192x1024xf32, #tpu.memory_space<hbm>>
    tpu.wait_indirect_dma semaphore(%arg10 : memref<!tpu.dma_semaphore, #tpu.memory_space<semaphore_mem>>) src(%dma_wait3A_11 : memref<8192x1024xf32, #tpu.memory_space<hbm>>) dst(%arg8 : memref<32x1024xf32, #tpu.memory_space<vmem>>)
    %dma_wait3A_12 = arith.constant 0 : i32
    %dma_wait3A_13 = arith.constant 0 : i32
    %dma_wait3A_14 = tpu.memref_slice %arg2[%dma_wait3A_12, %dma_wait3A_13] : memref<8192x1024xf32, #tpu.memory_space<hbm>> -> memref<8192x1024xf32, #tpu.memory_space<hbm>>
    tpu.wait_indirect_dma semaphore(%arg11 : memref<!tpu.dma_semaphore, #tpu.memory_space<semaphore_mem>>) src(%dma_wait3A_14 : memref<8192x1024xf32, #tpu.memory_space<hbm>>) dst(%arg9 : memref<32x1024xf32, #tpu.memory_space<vmem>>)
    %scan3A = arith.constant 0 : i32
    %scan3A_15 = arith.constant 0 : i32
    %scan3A_16 = arith.constant 2048 : i32
    %scan3A_17 = arith.addi %scan3A_15, %scan3A_16 : i32
    %scan3A_18 = arith.constant 1 : i32
    scf.for %scan3A_40 = %scan3A_15 to %scan3A_17 step %scan3A_18  : i32 {
      %jit3A = arith.constant 64 : i32
      %div3A = arith.divsi %scan3A_40, %jit3A : i32
      %sign3A = arith.constant 0 : i32
      %sign3A_41 = arith.cmpi sgt, %scan3A_40, %sign3A : i32
      %sign3A_42 = arith.extui %sign3A_41 : i1 to i32
      %sign3A_43 = arith.constant 0 : i32
      %sign3A_44 = arith.cmpi slt, %scan3A_40, %sign3A_43 : i32
      %sign3A_45 = arith.extui %sign3A_44 : i1 to i32
      %sign3A_46 = arith.subi %sign3A_42, %sign3A_45 : i32
      %sign3A_47 = arith.constant 0 : i32
      %sign3A_48 = arith.cmpi sgt, %jit3A, %sign3A_47 : i32
      %sign3A_49 = arith.extui %sign3A_48 : i1 to i32
      %sign3A_50 = arith.constant 0 : i32
      %sign3A_51 = arith.cmpi slt, %jit3A, %sign3A_50 : i32
      %sign3A_52 = arith.extui %sign3A_51 : i1 to i32
      %sign3A_53 = arith.subi %sign3A_49, %sign3A_52 : i32
      %ne3A = arith.cmpi ne, %sign3A_46, %sign3A_53 : i32
      %rem3A = arith.remsi %scan3A_40, %jit3A : i32
      %ne3A_54 = arith.constant 0 : i32
      %ne3A_55 = arith.cmpi ne, %rem3A, %ne3A_54 : i32
      %and3A = arith.andi %ne3A, %ne3A_55 : i1
      %sub3A = arith.constant 1 : i32
      %sub3A_56 = arith.subi %div3A, %sub3A : i32
      %select_n3A = arith.select %and3A, %sub3A_56, %div3A : i32
      %jit3A_57 = arith.constant 64 : i32
      %eq3A = arith.constant 0 : i32
      %eq3A_58 = arith.cmpi eq, %jit3A_57, %eq3A : i32
      %jit3A_59 = arith.constant 1 : i32
      %select_n3A_60 = arith.select %eq3A_58, %jit3A_59, %jit3A_57 : i32
      %rem3A_61 = arith.remsi %scan3A_40, %select_n3A_60 : i32
      %ne3A_62 = arith.constant 0 : i32
      %ne3A_63 = arith.cmpi ne, %rem3A_61, %ne3A_62 : i32
      %lt3A = arith.constant 0 : i32
      %lt3A_64 = arith.cmpi slt, %rem3A_61, %lt3A : i32
      %lt3A_65 = arith.constant 0 : i32
      %lt3A_66 = arith.cmpi slt, %select_n3A_60, %lt3A_65 : i32
      %ne3A_67 = arith.xori %lt3A_64, %lt3A_66 : i1
      %and3A_68 = arith.andi %ne3A_67, %ne3A_63 : i1
      %add3A_69 = arith.addi %rem3A_61, %select_n3A_60 : i32
      %select_n3A_70 = arith.select %and3A_68, %add3A_69, %rem3A_61 : i32
      %mul3A_71 = arith.constant 16 : i32
      %mul3A_72 = arith.muli %select_n3A_70, %mul3A_71 : i32
      %get3A = arith.index_cast %select_n3A : i32 to index
      %get3A_73 = arith.index_cast %mul3A_72 : i32 to index
      %get3A_74 = tpu.vector_load %arg8[%get3A, %get3A_73] {strides = array<i32>} : memref<32x1024xf32, #tpu.memory_space<vmem>>, vector<1x16xf32>,
      %get3A_75 = vector.shape_cast %get3A_74 : vector<1x16xf32> to vector<16xf32>
      %get3A_76 = arith.index_cast %select_n3A : i32 to index
      %get3A_77 = arith.index_cast %mul3A_72 : i32 to index
      %get3A_78 = tpu.vector_load %arg9[%get3A_76, %get3A_77] {strides = array<i32>} : memref<32x1024xf32, #tpu.memory_space<vmem>>, vector<1x16xf32>,
      %get3A_79 = vector.shape_cast %get3A_78 : vector<1x16xf32> to vector<16xf32>
      %add3A_80 = arith.addf %get3A_75, %get3A_79 : vector<16xf32>
      %swap3A = arith.index_cast %select_n3A : i32 to index
      %swap3A_81 = arith.index_cast %mul3A_72 : i32 to index
      %swap3A_82 = tpu.vector_load %arg8[%swap3A, %swap3A_81] {strides = array<i32>} : memref<32x1024xf32, #tpu.memory_space<vmem>>, vector<1x16xf32>,
      %swap3A_83 = vector.shape_cast %swap3A_82 : vector<1x16xf32> to vector<16xf32>
      %swap3A_84 = vector.shape_cast %add3A_80 : vector<16xf32> to vector<1x16xf32>
      tpu.vector_store %arg8[%swap3A, %swap3A_81], %swap3A_84 {strides = array<i32>} : memref<32x1024xf32, #tpu.memory_space<vmem>>, vector<1x16xf32>,
    }
    %scan3A_19 = arith.constant 2048 : i32
    "tpu.region"() ({
      %run_scoped3A = tpu.sem_alloc : memref<!tpu.dma_semaphore, #tpu.memory_space<semaphore_mem>>
      %dma_start3A_40 = arith.constant 0 : i32
      %dma_start3A_41 = tpu.memref_slice %arg5[%add3A_4, %dma_start3A_40] : memref<2048x1024xf32, #tpu.memory_space<hbm>> -> memref<32x1024xf32, #tpu.memory_space<hbm>>
      %dma_start3A_42 = arith.constant 0 : i32
      %dma_start3A_43 = tpu.memref_slice %arg5[%add3A_4, %dma_start3A_42] : memref<2048x1024xf32, #tpu.memory_space<hbm>> -> memref<32x1024xf32, #tpu.memory_space<hbm>>
      tpu.enqueue_dma source(%arg8 : memref<32x1024xf32, #tpu.memory_space<vmem>>) target(%dma_start3A_43 : memref<32x1024xf32, #tpu.memory_space<hbm>>) target_semaphore(%run_scoped3A : memref<!tpu.dma_semaphore, #tpu.memory_space<semaphore_mem>>)
      %dma_wait3A_44 = arith.constant 0 : i32
      %dma_wait3A_45 = tpu.memref_slice %arg5[%add3A_4, %dma_wait3A_44] : memref<2048x1024xf32, #tpu.memory_space<hbm>> -> memref<32x1024xf32, #tpu.memory_space<hbm>>
      %dma_wait3A_46 = arith.constant 0 : i32
      %dma_wait3A_47 = tpu.memref_slice %arg5[%add3A_4, %dma_wait3A_46] : memref<2048x1024xf32, #tpu.memory_space<hbm>> -> memref<32x1024xf32, #tpu.memory_space<hbm>>
      tpu.wait_dma2 semaphore(%run_scoped3A : memref<!tpu.dma_semaphore, #tpu.memory_space<semaphore_mem>>) src(%arg8 : memref<32x1024xf32, #tpu.memory_space<vmem>>) dst(%dma_wait3A_47 : memref<32x1024xf32, #tpu.memory_space<hbm>>)
      tpu.yield
    }) : () -> ()
    %add3A_20 = arith.constant 32 : i32
    %add3A_21 = arith.addi %mul3A_2, %add3A_20 : i32
    "tpu.region"() ({
      %run_scoped3A = tpu.sem_alloc : memref<!tpu.dma_semaphore, #tpu.memory_space<semaphore_mem>>
      %dma_start3A_40 = tpu.memref_slice %arg3[%add3A_21] : memref<2048xi32, #tpu.memory_space<hbm>> -> memref<32xi32, #tpu.memory_space<hbm>>
      %dma_start3A_41 = tpu.memref_slice %arg3[%add3A_21] : memref<2048xi32, #tpu.memory_space<hbm>> -> memref<32xi32, #tpu.memory_space<hbm>>
      tpu.enqueue_dma source(%dma_start3A_41 : memref<32xi32, #tpu.memory_space<hbm>>) target(%arg6 : memref<32xi32, #tpu.memory_space<vmem>>) target_semaphore(%run_scoped3A : memref<!tpu.dma_semaphore, #tpu.memory_space<semaphore_mem>>)
      %dma_wait3A_42 = tpu.memref_slice %arg3[%add3A_21] : memref<2048xi32, #tpu.memory_space<hbm>> -> memref<32xi32, #tpu.memory_space<hbm>>
      %dma_wait3A_43 = tpu.memref_slice %arg3[%add3A_21] : memref<2048xi32, #tpu.memory_space<hbm>> -> memref<32xi32, #tpu.memory_space<hbm>>
      tpu.wait_dma2 semaphore(%run_scoped3A : memref<!tpu.dma_semaphore, #tpu.memory_space<semaphore_mem>>) src(%dma_wait3A_43 : memref<32xi32, #tpu.memory_space<hbm>>) dst(%arg6 : memref<32xi32, #tpu.memory_space<vmem>>)
      tpu.yield
    }) : () -> ()
    "tpu.region"() ({
      %run_scoped3A = tpu.sem_alloc : memref<!tpu.dma_semaphore, #tpu.memory_space<semaphore_mem>>
      %dma_start3A_40 = tpu.memref_slice %arg4[%add3A_21] : memref<2048xi32, #tpu.memory_space<hbm>> -> memref<32xi32, #tpu.memory_space<hbm>>
      %dma_start3A_41 = tpu.memref_slice %arg4[%add3A_21] : memref<2048xi32, #tpu.memory_space<hbm>> -> memref<32xi32, #tpu.memory_space<hbm>>
      tpu.enqueue_dma source(%dma_start3A_41 : memref<32xi32, #tpu.memory_space<hbm>>) target(%arg7 : memref<32xi32, #tpu.memory_space<vmem>>) target_semaphore(%run_scoped3A : memref<!tpu.dma_semaphore, #tpu.memory_space<semaphore_mem>>)
      %dma_wait3A_42 = tpu.memref_slice %arg4[%add3A_21] : memref<2048xi32, #tpu.memory_space<hbm>> -> memref<32xi32, #tpu.memory_space<hbm>>
      %dma_wait3A_43 = tpu.memref_slice %arg4[%add3A_21] : memref<2048xi32, #tpu.memory_space<hbm>> -> memref<32xi32, #tpu.memory_space<hbm>>
      tpu.wait_dma2 semaphore(%run_scoped3A : memref<!tpu.dma_semaphore, #tpu.memory_space<semaphore_mem>>) src(%dma_wait3A_43 : memref<32xi32, #tpu.memory_space<hbm>>) dst(%arg7 : memref<32xi32, #tpu.memory_space<vmem>>)
      tpu.yield
    }) : () -> ()
    %dma_start3A_22 = arith.constant 0 : i32
    %dma_start3A_23 = arith.constant 0 : i32
    %dma_start3A_24 = tpu.memref_slice %arg2[%dma_start3A_22, %dma_start3A_23] : memref<8192x1024xf32, #tpu.memory_space<hbm>> -> memref<8192x1024xf32, #tpu.memory_space<hbm>>
    tpu.enqueue_indirect_dma source(%dma_start3A_24 : memref<8192x1024xf32, #tpu.memory_space<hbm>>) target(%arg8 : memref<32x1024xf32, #tpu.memory_space<vmem>>) offsets(%arg6 : memref<32xi32, #tpu.memory_space<vmem>>) semaphore(%arg10 : memref<!tpu.dma_semaphore, #tpu.memory_space<semaphore_mem>>)
    %dma_start3A_25 = arith.constant 0 : i32
    %dma_start3A_26 = arith.constant 0 : i32
    %dma_start3A_27 = tpu.memref_slice %arg2[%dma_start3A_25, %dma_start3A_26] : memref<8192x1024xf32, #tpu.memory_space<hbm>> -> memref<8192x1024xf32, #tpu.memory_space<hbm>>
    tpu.enqueue_indirect_dma source(%dma_start3A_27 : memref<8192x1024xf32, #tpu.memory_space<hbm>>) target(%arg9 : memref<32x1024xf32, #tpu.memory_space<vmem>>) offsets(%arg7 : memref<32xi32, #tpu.memory_space<vmem>>) semaphore(%arg11 : memref<!tpu.dma_semaphore, #tpu.memory_space<semaphore_mem>>)
    %dma_wait3A_28 = arith.constant 0 : i32
    %dma_wait3A_29 = arith.constant 0 : i32
    %dma_wait3A_30 = tpu.memref_slice %arg2[%dma_wait3A_28, %dma_wait3A_29] : memref<8192x1024xf32, #tpu.memory_space<hbm>> -> memref<8192x1024xf32, #tpu.memory_space<hbm>>
    tpu.wait_indirect_dma semaphore(%arg10 : memref<!tpu.dma_semaphore, #tpu.memory_space<semaphore_mem>>) src(%dma_wait3A_30 : memref<8192x1024xf32, #tpu.memory_space<hbm>>) dst(%arg8 : memref<32x1024xf32, #tpu.memory_space<vmem>>)
    %dma_wait3A_31 = arith.constant 0 : i32
    %dma_wait3A_32 = arith.constant 0 : i32
    %dma_wait3A_33 = tpu.memref_slice %arg2[%dma_wait3A_31, %dma_wait3A_32] : memref<8192x1024xf32, #tpu.memory_space<hbm>> -> memref<8192x1024xf32, #tpu.memory_space<hbm>>
    tpu.wait_indirect_dma semaphore(%arg11 : memref<!tpu.dma_semaphore, #tpu.memory_space<semaphore_mem>>) src(%dma_wait3A_33 : memref<8192x1024xf32, #tpu.memory_space<hbm>>) dst(%arg9 : memref<32x1024xf32, #tpu.memory_space<vmem>>)
    %scan3A_34 = arith.constant 0 : i32
    %scan3A_35 = arith.constant 0 : i32
    %scan3A_36 = arith.constant 2048 : i32
    %scan3A_37 = arith.addi %scan3A_35, %scan3A_36 : i32
    %scan3A_38 = arith.constant 1 : i32
    scf.for %scan3A_40 = %scan3A_35 to %scan3A_37 step %scan3A_38  : i32 {
      %jit3A = arith.constant 64 : i32
      %div3A = arith.divsi %scan3A_40, %jit3A : i32
      %sign3A = arith.constant 0 : i32
      %sign3A_41 = arith.cmpi sgt, %scan3A_40, %sign3A : i32
      %sign3A_42 = arith.extui %sign3A_41 : i1 to i32
      %sign3A_43 = arith.constant 0 : i32
      %sign3A_44 = arith.cmpi slt, %scan3A_40, %sign3A_43 : i32
      %sign3A_45 = arith.extui %sign3A_44 : i1 to i32
      %sign3A_46 = arith.subi %sign3A_42, %sign3A_45 : i32
      %sign3A_47 = arith.constant 0 : i32
      %sign3A_48 = arith.cmpi sgt, %jit3A, %sign3A_47 : i32
      %sign3A_49 = arith.extui %sign3A_48 : i1 to i32
      %sign3A_50 = arith.constant 0 : i32
      %sign3A_51 = arith.cmpi slt, %jit3A, %sign3A_50 : i32
      %sign3A_52 = arith.extui %sign3A_51 : i1 to i32
      %sign3A_53 = arith.subi %sign3A_49, %sign3A_52 : i32
      %ne3A = arith.cmpi ne, %sign3A_46, %sign3A_53 : i32
      %rem3A = arith.remsi %scan3A_40, %jit3A : i32
      %ne3A_54 = arith.constant 0 : i32
      %ne3A_55 = arith.cmpi ne, %rem3A, %ne3A_54 : i32
      %and3A = arith.andi %ne3A, %ne3A_55 : i1
      %sub3A = arith.constant 1 : i32
      %sub3A_56 = arith.subi %div3A, %sub3A : i32
      %select_n3A = arith.select %and3A, %sub3A_56, %div3A : i32
      %jit3A_57 = arith.constant 64 : i32
      %eq3A = arith.constant 0 : i32
      %eq3A_58 = arith.cmpi eq, %jit3A_57, %eq3A : i32
      %jit3A_59 = arith.constant 1 : i32
      %select_n3A_60 = arith.select %eq3A_58, %jit3A_59, %jit3A_57 : i32
      %rem3A_61 = arith.remsi %scan3A_40, %select_n3A_60 : i32
      %ne3A_62 = arith.constant 0 : i32
      %ne3A_63 = arith.cmpi ne, %rem3A_61, %ne3A_62 : i32
      %lt3A = arith.constant 0 : i32
      %lt3A_64 = arith.cmpi slt, %rem3A_61, %lt3A : i32
      %lt3A_65 = arith.constant 0 : i32
      %lt3A_66 = arith.cmpi slt, %select_n3A_60, %lt3A_65 : i32
      %ne3A_67 = arith.xori %lt3A_64, %lt3A_66 : i1
      %and3A_68 = arith.andi %ne3A_67, %ne3A_63 : i1
      %add3A_69 = arith.addi %rem3A_61, %select_n3A_60 : i32
      %select_n3A_70 = arith.select %and3A_68, %add3A_69, %rem3A_61 : i32
      %mul3A_71 = arith.constant 16 : i32
      %mul3A_72 = arith.muli %select_n3A_70, %mul3A_71 : i32
      %get3A = arith.index_cast %select_n3A : i32 to index
      %get3A_73 = arith.index_cast %mul3A_72 : i32 to index
      %get3A_74 = tpu.vector_load %arg8[%get3A, %get3A_73] {strides = array<i32>} : memref<32x1024xf32, #tpu.memory_space<vmem>>, vector<1x16xf32>,
      %get3A_75 = vector.shape_cast %get3A_74 : vector<1x16xf32> to vector<16xf32>
      %get3A_76 = arith.index_cast %select_n3A : i32 to index
      %get3A_77 = arith.index_cast %mul3A_72 : i32 to index
      %get3A_78 = tpu.vector_load %arg9[%get3A_76, %get3A_77] {strides = array<i32>} : memref<32x1024xf32, #tpu.memory_space<vmem>>, vector<1x16xf32>,
      %get3A_79 = vector.shape_cast %get3A_78 : vector<1x16xf32> to vector<16xf32>
      %add3A_80 = arith.addf %get3A_75, %get3A_79 : vector<16xf32>
      %swap3A = arith.index_cast %select_n3A : i32 to index
      %swap3A_81 = arith.index_cast %mul3A_72 : i32 to index
      %swap3A_82 = tpu.vector_load %arg8[%swap3A, %swap3A_81] {strides = array<i32>} : memref<32x1024xf32, #tpu.memory_space<vmem>>, vector<1x16xf32>,
      %swap3A_83 = vector.shape_cast %swap3A_82 : vector<1x16xf32> to vector<16xf32>
      %swap3A_84 = vector.shape_cast %add3A_80 : vector<16xf32> to vector<1x16xf32>
      tpu.vector_store %arg8[%swap3A, %swap3A_81], %swap3A_84 {strides = array<i32>} : memref<32x1024xf32, #tpu.memory_space<vmem>>, vector<1x16xf32>,
    }
    %scan3A_39 = arith.constant 2048 : i32
    "tpu.region"() ({
      %run_scoped3A = tpu.sem_alloc : memref<!tpu.dma_semaphore, #tpu.memory_space<semaphore_mem>>
      %dma_start3A_40 = arith.constant 0 : i32
      %dma_start3A_41 = tpu.memref_slice %arg5[%add3A_21, %dma_start3A_40] : memref<2048x1024xf32, #tpu.memory_space<hbm>> -> memref<32x1024xf32, #tpu.memory_space<hbm>>
      %dma_start3A_42 = arith.constant 0 : i32
      %dma_start3A_43 = tpu.memref_slice %arg5[%add3A_21, %dma_start3A_42] : memref<2048x1024xf32, #tpu.memory_space<hbm>> -> memref<32x1024xf32, #tpu.memory_space<hbm>>
      tpu.enqueue_dma source(%arg8 : memref<32x1024xf32, #tpu.memory_space<vmem>>) target(%dma_start3A_43 : memref<32x1024xf32, #tpu.memory_space<hbm>>) target_semaphore(%run_scoped3A : memref<!tpu.dma_semaphore, #tpu.memory_space<semaphore_mem>>)
      %dma_wait3A_44 = arith.constant 0 : i32
      %dma_wait3A_45 = tpu.memref_slice %arg5[%add3A_21, %dma_wait3A_44] : memref<2048x1024xf32, #tpu.memory_space<hbm>> -> memref<32x1024xf32, #tpu.memory_space<hbm>>
      %dma_wait3A_46 = arith.constant 0 : i32
      %dma_wait3A_47 = tpu.memref_slice %arg5[%add3A_21, %dma_wait3A_46] : memref<2048x1024xf32, #tpu.memory_space<hbm>> -> memref<32x1024xf32, #tpu.memory_space<hbm>>
      tpu.wait_dma2 semaphore(%run_scoped3A : memref<!tpu.dma_semaphore, #tpu.memory_space<semaphore_mem>>) src(%arg8 : memref<32x1024xf32, #tpu.memory_space<vmem>>) dst(%dma_wait3A_47 : memref<32x1024xf32, #tpu.memory_space<hbm>>)
      tpu.yield
    }) : () -> ()
    return
  }
}

module attributes {stable_mosaic.version = 14 : i64} {
  func.func @_router_body(%arg0: memref<2048x1024xf32, #tpu.memory_space<vmem>>, %arg1: memref<64x1024xf32, #tpu.memory_space<vmem>>, %arg2: memref<2048x1xi32, #tpu.memory_space<vmem>>, %arg3: memref<2048x1xi32, #tpu.memory_space<vmem>>, %arg4: memref<2048x1xf32, #tpu.memory_space<vmem>>, %arg5: memref<2048x1xf32, #tpu.memory_space<vmem>>, %arg6: memref<128x1xi32, #tpu.memory_space<vmem>>, %arg7: memref<1x1xi32, #tpu.memory_space<vmem>>) attributes {dimension_semantics = [], scalar_prefetch = 0 : i64, scratch_operands = 0 : i64, tpu.core_type = #tpu.core_type<tc>} {
    %get3A = arith.constant 0 : index
    %get3A_0 = arith.constant 0 : index
    %get3A_1 = vector.load %arg0[%get3A, %get3A_0] : memref<2048x1024xf32, #tpu.memory_space<vmem>>, vector<2048x1024xf32>
    %get3A_2 = arith.constant 0 : index
    %get3A_3 = arith.constant 0 : index
    %get3A_4 = vector.load %arg1[%get3A_2, %get3A_3] : memref<64x1024xf32, #tpu.memory_space<vmem>>, vector<64x1024xf32>
    %dot_general3A = arith.constant dense<0.000000e+00> : vector<2048x64xf32>
    %dot_general3A_5 = tpu.matmul %get3A_1, %get3A_4, %dot_general3A {dimension_numbers = #tpu.dot_dimension_numbers<[1], [1], [0], [0], [0, 0, 1, 0], [], []>, transpose_lhs_hint = false} : vector<2048x1024xf32>, vector<64x1024xf32>, vector<2048x64xf32> -> vector<2048x64xf32>
    %reduce_max3A = arith.constant dense<0xFF800000> : vector<2048xf32>
    %reduce_max3A_6 = vector.multi_reduction <maximumf>, %dot_general3A_5, %reduce_max3A [1] : vector<2048x64xf32> to vector<2048xf32>
    %broadcast_in_dim3A = vector.shape_cast %reduce_max3A_6 : vector<2048xf32> to vector<2048x1xf32>
    %iota3A = tpu.iota {dimensions = array<i32: 1>} : vector<2048x64xi32>
    %eq3A = vector.broadcast %broadcast_in_dim3A : vector<2048x1xf32> to vector<2048x64xf32>
    %eq3A_7 = arith.cmpf oeq, %dot_general3A_5, %eq3A : vector<2048x64xf32>
    %jit3A = arith.constant 1073741824 : i32
    %broadcast_in_dim3A_8 = vector.broadcast %jit3A : i32 to vector<2048x64xi32>
    %select_n3A = arith.select %eq3A_7, %iota3A, %broadcast_in_dim3A_8 : vector<2048x64xi1>, vector<2048x64xi32>
    %reduce_min3A = arith.constant dense<2147483647> : vector<2048xi32>
    %reduce_min3A_9 = vector.multi_reduction <minsi>, %select_n3A, %reduce_min3A [1] : vector<2048x64xi32> to vector<2048xi32>
    %broadcast_in_dim3A_10 = vector.shape_cast %reduce_min3A_9 : vector<2048xi32> to vector<2048x1xi32>
    %eq3A_11 = vector.broadcast %broadcast_in_dim3A_10 : vector<2048x1xi32> to vector<2048x64xi32>
    %eq3A_12 = arith.cmpi eq, %iota3A, %eq3A_11 : vector<2048x64xi32>
    %jit3A_13 = arith.constant 0xFF800000 : f32
    %broadcast_in_dim3A_14 = vector.broadcast %jit3A_13 : f32 to vector<2048x64xf32>
    %select_n3A_15 = arith.select %eq3A_12, %broadcast_in_dim3A_14, %dot_general3A_5 : vector<2048x64xi1>, vector<2048x64xf32>
    %reduce_max3A_16 = arith.constant dense<0xFF800000> : vector<2048xf32>
    %reduce_max3A_17 = vector.multi_reduction <maximumf>, %select_n3A_15, %reduce_max3A_16 [1] : vector<2048x64xf32> to vector<2048xf32>
    %broadcast_in_dim3A_18 = vector.shape_cast %reduce_max3A_17 : vector<2048xf32> to vector<2048x1xf32>
    %eq3A_19 = vector.broadcast %broadcast_in_dim3A_18 : vector<2048x1xf32> to vector<2048x64xf32>
    %eq3A_20 = arith.cmpf oeq, %dot_general3A_5, %eq3A_19 : vector<2048x64xf32>
    %not3A = arith.constant dense<true> : vector<2048x64xi1>
    %not3A_21 = arith.xori %eq3A_12, %not3A : vector<2048x64xi1>
    %and3A = arith.andi %eq3A_20, %not3A_21 : vector<2048x64xi1>
    %jit3A_22 = arith.constant 1073741824 : i32
    %broadcast_in_dim3A_23 = vector.broadcast %jit3A_22 : i32 to vector<2048x64xi32>
    %select_n3A_24 = arith.select %and3A, %iota3A, %broadcast_in_dim3A_23 : vector<2048x64xi1>, vector<2048x64xi32>
    %reduce_min3A_25 = arith.constant dense<2147483647> : vector<2048xi32>
    %reduce_min3A_26 = vector.multi_reduction <minsi>, %select_n3A_24, %reduce_min3A_25 [1] : vector<2048x64xi32> to vector<2048xi32>
    %broadcast_in_dim3A_27 = vector.shape_cast %reduce_min3A_26 : vector<2048xi32> to vector<2048x1xi32>
    %sub3A = arith.subf %broadcast_in_dim3A_18, %broadcast_in_dim3A : vector<2048x1xf32>
    %exp3A = math.exp %sub3A : vector<2048x1xf32>
    %add3A = arith.constant 1.000000e+00 : f32
    %add3A_28 = vector.broadcast %add3A : f32 to vector<2048x1xf32>
    %add3A_29 = arith.addf %add3A_28, %exp3A : vector<2048x1xf32>
    %div3A = arith.constant 1.000000e+00 : f32
    %div3A_30 = vector.broadcast %div3A : f32 to vector<2048x1xf32>
    %div3A_31 = arith.divf %div3A_30, %add3A_29 : vector<2048x1xf32>
    %swap3A = arith.constant 0 : index
    %swap3A_32 = arith.constant 0 : index
    %swap3A_33 = vector.load %arg4[%swap3A, %swap3A_32] : memref<2048x1xf32, #tpu.memory_space<vmem>>, vector<2048x1xf32>
    tpu.vector_store %arg4[%swap3A, %swap3A_32], %div3A_31 {strides = array<i32>} : memref<2048x1xf32, #tpu.memory_space<vmem>>, vector<2048x1xf32>,
    %sub3A_34 = arith.constant 1.000000e+00 : f32
    %sub3A_35 = vector.broadcast %sub3A_34 : f32 to vector<2048x1xf32>
    %sub3A_36 = arith.subf %sub3A_35, %div3A_31 : vector<2048x1xf32>
    %swap3A_37 = arith.constant 0 : index
    %swap3A_38 = arith.constant 0 : index
    %swap3A_39 = vector.load %arg5[%swap3A_37, %swap3A_38] : memref<2048x1xf32, #tpu.memory_space<vmem>>, vector<2048x1xf32>
    tpu.vector_store %arg5[%swap3A_37, %swap3A_38], %sub3A_36 {strides = array<i32>} : memref<2048x1xf32, #tpu.memory_space<vmem>>, vector<2048x1xf32>,
    %eq3A_40 = vector.broadcast %broadcast_in_dim3A_10 : vector<2048x1xi32> to vector<2048x64xi32>
    %eq3A_41 = arith.cmpi eq, %iota3A, %eq3A_40 : vector<2048x64xi32>
    %convert_element_type3A = arith.extui %eq3A_41 : vector<2048x64xi1> to vector<2048x64xi32>
    %convert_element_type3A_42 = arith.sitofp %convert_element_type3A : vector<2048x64xi32> to vector<2048x64xf32>
    %eq3A_43 = vector.broadcast %broadcast_in_dim3A_27 : vector<2048x1xi32> to vector<2048x64xi32>
    %eq3A_44 = arith.cmpi eq, %iota3A, %eq3A_43 : vector<2048x64xi32>
    %convert_element_type3A_45 = arith.extui %eq3A_44 : vector<2048x64xi1> to vector<2048x64xi32>
    %convert_element_type3A_46 = arith.sitofp %convert_element_type3A_45 : vector<2048x64xi32> to vector<2048x64xf32>
    %add3A_47 = arith.addf %convert_element_type3A_42, %convert_element_type3A_46 : vector<2048x64xf32>
    %iota3A_48 = tpu.iota {dimensions = array<i32: 0>} : vector<128x128xi32>
    %iota3A_49 = tpu.iota {dimensions = array<i32: 1>} : vector<128x128xi32>
    %lt3A = arith.cmpi slt, %iota3A_49, %iota3A_48 : vector<128x128xi32>
    %convert_element_type3A_50 = arith.extui %lt3A : vector<128x128xi1> to vector<128x128xi32>
    %convert_element_type3A_51 = arith.sitofp %convert_element_type3A_50 : vector<128x128xi32> to vector<128x128xf32>
    %broadcast_in_dim3A_52 = arith.constant 0.000000e+00 : f32
    %broadcast_in_dim3A_53 = vector.broadcast %broadcast_in_dim3A_52 : f32 to vector<1x64xf32>
    %slice3A = vector.extract_strided_slice %add3A_47 {offsets = [0, 0], sizes = [128, 64], strides = [1, 1]} : vector<2048x64xf32> to vector<128x64xf32>
    %dot_general3A_54 = arith.constant dense<0.000000e+00> : vector<128x64xf32>
    %dot_general3A_55 = tpu.matmul %convert_element_type3A_51, %slice3A, %dot_general3A_54 {dimension_numbers = #tpu.dot_dimension_numbers<[1], [0], [0], [1], [0, 0, 1, 1], [], []>, transpose_lhs_hint = false} : vector<128x128xf32>, vector<128x64xf32>, vector<128x64xf32> -> vector<128x64xf32>
    %add3A_56 = vector.broadcast %broadcast_in_dim3A_53 : vector<1x64xf32> to vector<128x64xf32>
    %add3A_57 = arith.addf %dot_general3A_55, %add3A_56 : vector<128x64xf32>
    %reduce_sum3A = arith.constant dense<0.000000e+00> : vector<64xf32>
    %reduce_sum3A_58 = vector.multi_reduction <add>, %slice3A, %reduce_sum3A [0] : vector<128x64xf32> to vector<64xf32>
    %broadcast_in_dim3A_59 = vector.shape_cast %reduce_sum3A_58 : vector<64xf32> to vector<1x64xf32>
    %add3A_60 = arith.addf %broadcast_in_dim3A_53, %broadcast_in_dim3A_59 : vector<1x64xf32>
    %slice3A_61 = vector.extract_strided_slice %add3A_47 {offsets = [128, 0], sizes = [128, 64], strides = [1, 1]} : vector<2048x64xf32> to vector<128x64xf32>
    %dot_general3A_62 = arith.constant dense<0.000000e+00> : vector<128x64xf32>
    %dot_general3A_63 = tpu.matmul %convert_element_type3A_51, %slice3A_61, %dot_general3A_62 {dimension_numbers = #tpu.dot_dimension_numbers<[1], [0], [0], [1], [0, 0, 1, 1], [], []>, transpose_lhs_hint = false} : vector<128x128xf32>, vector<128x64xf32>, vector<128x64xf32> -> vector<128x64xf32>
    %add3A_64 = vector.broadcast %add3A_60 : vector<1x64xf32> to vector<128x64xf32>
    %add3A_65 = arith.addf %dot_general3A_63, %add3A_64 : vector<128x64xf32>
    %reduce_sum3A_66 = arith.constant dense<0.000000e+00> : vector<64xf32>
    %reduce_sum3A_67 = vector.multi_reduction <add>, %slice3A_61, %reduce_sum3A_66 [0] : vector<128x64xf32> to vector<64xf32>
    %broadcast_in_dim3A_68 = vector.shape_cast %reduce_sum3A_67 : vector<64xf32> to vector<1x64xf32>
    %add3A_69 = arith.addf %add3A_60, %broadcast_in_dim3A_68 : vector<1x64xf32>
    %slice3A_70 = vector.extract_strided_slice %add3A_47 {offsets = [256, 0], sizes = [128, 64], strides = [1, 1]} : vector<2048x64xf32> to vector<128x64xf32>
    %dot_general3A_71 = arith.constant dense<0.000000e+00> : vector<128x64xf32>
    %dot_general3A_72 = tpu.matmul %convert_element_type3A_51, %slice3A_70, %dot_general3A_71 {dimension_numbers = #tpu.dot_dimension_numbers<[1], [0], [0], [1], [0, 0, 1, 1], [], []>, transpose_lhs_hint = false} : vector<128x128xf32>, vector<128x64xf32>, vector<128x64xf32> -> vector<128x64xf32>
    %add3A_73 = vector.broadcast %add3A_69 : vector<1x64xf32> to vector<128x64xf32>
    %add3A_74 = arith.addf %dot_general3A_72, %add3A_73 : vector<128x64xf32>
    %reduce_sum3A_75 = arith.constant dense<0.000000e+00> : vector<64xf32>
    %reduce_sum3A_76 = vector.multi_reduction <add>, %slice3A_70, %reduce_sum3A_75 [0] : vector<128x64xf32> to vector<64xf32>
    %broadcast_in_dim3A_77 = vector.shape_cast %reduce_sum3A_76 : vector<64xf32> to vector<1x64xf32>
    %add3A_78 = arith.addf %add3A_69, %broadcast_in_dim3A_77 : vector<1x64xf32>
    %slice3A_79 = vector.extract_strided_slice %add3A_47 {offsets = [384, 0], sizes = [128, 64], strides = [1, 1]} : vector<2048x64xf32> to vector<128x64xf32>
    %dot_general3A_80 = arith.constant dense<0.000000e+00> : vector<128x64xf32>
    %dot_general3A_81 = tpu.matmul %convert_element_type3A_51, %slice3A_79, %dot_general3A_80 {dimension_numbers = #tpu.dot_dimension_numbers<[1], [0], [0], [1], [0, 0, 1, 1], [], []>, transpose_lhs_hint = false} : vector<128x128xf32>, vector<128x64xf32>, vector<128x64xf32> -> vector<128x64xf32>
    %add3A_82 = vector.broadcast %add3A_78 : vector<1x64xf32> to vector<128x64xf32>
    %add3A_83 = arith.addf %dot_general3A_81, %add3A_82 : vector<128x64xf32>
    %reduce_sum3A_84 = arith.constant dense<0.000000e+00> : vector<64xf32>
    %reduce_sum3A_85 = vector.multi_reduction <add>, %slice3A_79, %reduce_sum3A_84 [0] : vector<128x64xf32> to vector<64xf32>
    %broadcast_in_dim3A_86 = vector.shape_cast %reduce_sum3A_85 : vector<64xf32> to vector<1x64xf32>
    %add3A_87 = arith.addf %add3A_78, %broadcast_in_dim3A_86 : vector<1x64xf32>
    %slice3A_88 = vector.extract_strided_slice %add3A_47 {offsets = [512, 0], sizes = [128, 64], strides = [1, 1]} : vector<2048x64xf32> to vector<128x64xf32>
    %dot_general3A_89 = arith.constant dense<0.000000e+00> : vector<128x64xf32>
    %dot_general3A_90 = tpu.matmul %convert_element_type3A_51, %slice3A_88, %dot_general3A_89 {dimension_numbers = #tpu.dot_dimension_numbers<[1], [0], [0], [1], [0, 0, 1, 1], [], []>, transpose_lhs_hint = false} : vector<128x128xf32>, vector<128x64xf32>, vector<128x64xf32> -> vector<128x64xf32>
    %add3A_91 = vector.broadcast %add3A_87 : vector<1x64xf32> to vector<128x64xf32>
    %add3A_92 = arith.addf %dot_general3A_90, %add3A_91 : vector<128x64xf32>
    %reduce_sum3A_93 = arith.constant dense<0.000000e+00> : vector<64xf32>
    %reduce_sum3A_94 = vector.multi_reduction <add>, %slice3A_88, %reduce_sum3A_93 [0] : vector<128x64xf32> to vector<64xf32>
    %broadcast_in_dim3A_95 = vector.shape_cast %reduce_sum3A_94 : vector<64xf32> to vector<1x64xf32>
    %add3A_96 = arith.addf %add3A_87, %broadcast_in_dim3A_95 : vector<1x64xf32>
    %slice3A_97 = vector.extract_strided_slice %add3A_47 {offsets = [640, 0], sizes = [128, 64], strides = [1, 1]} : vector<2048x64xf32> to vector<128x64xf32>
    %dot_general3A_98 = arith.constant dense<0.000000e+00> : vector<128x64xf32>
    %dot_general3A_99 = tpu.matmul %convert_element_type3A_51, %slice3A_97, %dot_general3A_98 {dimension_numbers = #tpu.dot_dimension_numbers<[1], [0], [0], [1], [0, 0, 1, 1], [], []>, transpose_lhs_hint = false} : vector<128x128xf32>, vector<128x64xf32>, vector<128x64xf32> -> vector<128x64xf32>
    %add3A_100 = vector.broadcast %add3A_96 : vector<1x64xf32> to vector<128x64xf32>
    %add3A_101 = arith.addf %dot_general3A_99, %add3A_100 : vector<128x64xf32>
    %reduce_sum3A_102 = arith.constant dense<0.000000e+00> : vector<64xf32>
    %reduce_sum3A_103 = vector.multi_reduction <add>, %slice3A_97, %reduce_sum3A_102 [0] : vector<128x64xf32> to vector<64xf32>
    %broadcast_in_dim3A_104 = vector.shape_cast %reduce_sum3A_103 : vector<64xf32> to vector<1x64xf32>
    %add3A_105 = arith.addf %add3A_96, %broadcast_in_dim3A_104 : vector<1x64xf32>
    %slice3A_106 = vector.extract_strided_slice %add3A_47 {offsets = [768, 0], sizes = [128, 64], strides = [1, 1]} : vector<2048x64xf32> to vector<128x64xf32>
    %dot_general3A_107 = arith.constant dense<0.000000e+00> : vector<128x64xf32>
    %dot_general3A_108 = tpu.matmul %convert_element_type3A_51, %slice3A_106, %dot_general3A_107 {dimension_numbers = #tpu.dot_dimension_numbers<[1], [0], [0], [1], [0, 0, 1, 1], [], []>, transpose_lhs_hint = false} : vector<128x128xf32>, vector<128x64xf32>, vector<128x64xf32> -> vector<128x64xf32>
    %add3A_109 = vector.broadcast %add3A_105 : vector<1x64xf32> to vector<128x64xf32>
    %add3A_110 = arith.addf %dot_general3A_108, %add3A_109 : vector<128x64xf32>
    %reduce_sum3A_111 = arith.constant dense<0.000000e+00> : vector<64xf32>
    %reduce_sum3A_112 = vector.multi_reduction <add>, %slice3A_106, %reduce_sum3A_111 [0] : vector<128x64xf32> to vector<64xf32>
    %broadcast_in_dim3A_113 = vector.shape_cast %reduce_sum3A_112 : vector<64xf32> to vector<1x64xf32>
    %add3A_114 = arith.addf %add3A_105, %broadcast_in_dim3A_113 : vector<1x64xf32>
    %slice3A_115 = vector.extract_strided_slice %add3A_47 {offsets = [896, 0], sizes = [128, 64], strides = [1, 1]} : vector<2048x64xf32> to vector<128x64xf32>
    %dot_general3A_116 = arith.constant dense<0.000000e+00> : vector<128x64xf32>
    %dot_general3A_117 = tpu.matmul %convert_element_type3A_51, %slice3A_115, %dot_general3A_116 {dimension_numbers = #tpu.dot_dimension_numbers<[1], [0], [0], [1], [0, 0, 1, 1], [], []>, transpose_lhs_hint = false} : vector<128x128xf32>, vector<128x64xf32>, vector<128x64xf32> -> vector<128x64xf32>
    %add3A_118 = vector.broadcast %add3A_114 : vector<1x64xf32> to vector<128x64xf32>
    %add3A_119 = arith.addf %dot_general3A_117, %add3A_118 : vector<128x64xf32>
    %reduce_sum3A_120 = arith.constant dense<0.000000e+00> : vector<64xf32>
    %reduce_sum3A_121 = vector.multi_reduction <add>, %slice3A_115, %reduce_sum3A_120 [0] : vector<128x64xf32> to vector<64xf32>
    %broadcast_in_dim3A_122 = vector.shape_cast %reduce_sum3A_121 : vector<64xf32> to vector<1x64xf32>
    %add3A_123 = arith.addf %add3A_114, %broadcast_in_dim3A_122 : vector<1x64xf32>
    %slice3A_124 = vector.extract_strided_slice %add3A_47 {offsets = [1024, 0], sizes = [128, 64], strides = [1, 1]} : vector<2048x64xf32> to vector<128x64xf32>
    %dot_general3A_125 = arith.constant dense<0.000000e+00> : vector<128x64xf32>
    %dot_general3A_126 = tpu.matmul %convert_element_type3A_51, %slice3A_124, %dot_general3A_125 {dimension_numbers = #tpu.dot_dimension_numbers<[1], [0], [0], [1], [0, 0, 1, 1], [], []>, transpose_lhs_hint = false} : vector<128x128xf32>, vector<128x64xf32>, vector<128x64xf32> -> vector<128x64xf32>
    %add3A_127 = vector.broadcast %add3A_123 : vector<1x64xf32> to vector<128x64xf32>
    %add3A_128 = arith.addf %dot_general3A_126, %add3A_127 : vector<128x64xf32>
    %reduce_sum3A_129 = arith.constant dense<0.000000e+00> : vector<64xf32>
    %reduce_sum3A_130 = vector.multi_reduction <add>, %slice3A_124, %reduce_sum3A_129 [0] : vector<128x64xf32> to vector<64xf32>
    %broadcast_in_dim3A_131 = vector.shape_cast %reduce_sum3A_130 : vector<64xf32> to vector<1x64xf32>
    %add3A_132 = arith.addf %add3A_123, %broadcast_in_dim3A_131 : vector<1x64xf32>
    %slice3A_133 = vector.extract_strided_slice %add3A_47 {offsets = [1152, 0], sizes = [128, 64], strides = [1, 1]} : vector<2048x64xf32> to vector<128x64xf32>
    %dot_general3A_134 = arith.constant dense<0.000000e+00> : vector<128x64xf32>
    %dot_general3A_135 = tpu.matmul %convert_element_type3A_51, %slice3A_133, %dot_general3A_134 {dimension_numbers = #tpu.dot_dimension_numbers<[1], [0], [0], [1], [0, 0, 1, 1], [], []>, transpose_lhs_hint = false} : vector<128x128xf32>, vector<128x64xf32>, vector<128x64xf32> -> vector<128x64xf32>
    %add3A_136 = vector.broadcast %add3A_132 : vector<1x64xf32> to vector<128x64xf32>
    %add3A_137 = arith.addf %dot_general3A_135, %add3A_136 : vector<128x64xf32>
    %reduce_sum3A_138 = arith.constant dense<0.000000e+00> : vector<64xf32>
    %reduce_sum3A_139 = vector.multi_reduction <add>, %slice3A_133, %reduce_sum3A_138 [0] : vector<128x64xf32> to vector<64xf32>
    %broadcast_in_dim3A_140 = vector.shape_cast %reduce_sum3A_139 : vector<64xf32> to vector<1x64xf32>
    %add3A_141 = arith.addf %add3A_132, %broadcast_in_dim3A_140 : vector<1x64xf32>
    %slice3A_142 = vector.extract_strided_slice %add3A_47 {offsets = [1280, 0], sizes = [128, 64], strides = [1, 1]} : vector<2048x64xf32> to vector<128x64xf32>
    %dot_general3A_143 = arith.constant dense<0.000000e+00> : vector<128x64xf32>
    %dot_general3A_144 = tpu.matmul %convert_element_type3A_51, %slice3A_142, %dot_general3A_143 {dimension_numbers = #tpu.dot_dimension_numbers<[1], [0], [0], [1], [0, 0, 1, 1], [], []>, transpose_lhs_hint = false} : vector<128x128xf32>, vector<128x64xf32>, vector<128x64xf32> -> vector<128x64xf32>
    %add3A_145 = vector.broadcast %add3A_141 : vector<1x64xf32> to vector<128x64xf32>
    %add3A_146 = arith.addf %dot_general3A_144, %add3A_145 : vector<128x64xf32>
    %reduce_sum3A_147 = arith.constant dense<0.000000e+00> : vector<64xf32>
    %reduce_sum3A_148 = vector.multi_reduction <add>, %slice3A_142, %reduce_sum3A_147 [0] : vector<128x64xf32> to vector<64xf32>
    %broadcast_in_dim3A_149 = vector.shape_cast %reduce_sum3A_148 : vector<64xf32> to vector<1x64xf32>
    %add3A_150 = arith.addf %add3A_141, %broadcast_in_dim3A_149 : vector<1x64xf32>
    %slice3A_151 = vector.extract_strided_slice %add3A_47 {offsets = [1408, 0], sizes = [128, 64], strides = [1, 1]} : vector<2048x64xf32> to vector<128x64xf32>
    %dot_general3A_152 = arith.constant dense<0.000000e+00> : vector<128x64xf32>
    %dot_general3A_153 = tpu.matmul %convert_element_type3A_51, %slice3A_151, %dot_general3A_152 {dimension_numbers = #tpu.dot_dimension_numbers<[1], [0], [0], [1], [0, 0, 1, 1], [], []>, transpose_lhs_hint = false} : vector<128x128xf32>, vector<128x64xf32>, vector<128x64xf32> -> vector<128x64xf32>
    %add3A_154 = vector.broadcast %add3A_150 : vector<1x64xf32> to vector<128x64xf32>
    %add3A_155 = arith.addf %dot_general3A_153, %add3A_154 : vector<128x64xf32>
    %reduce_sum3A_156 = arith.constant dense<0.000000e+00> : vector<64xf32>
    %reduce_sum3A_157 = vector.multi_reduction <add>, %slice3A_151, %reduce_sum3A_156 [0] : vector<128x64xf32> to vector<64xf32>
    %broadcast_in_dim3A_158 = vector.shape_cast %reduce_sum3A_157 : vector<64xf32> to vector<1x64xf32>
    %add3A_159 = arith.addf %add3A_150, %broadcast_in_dim3A_158 : vector<1x64xf32>
    %slice3A_160 = vector.extract_strided_slice %add3A_47 {offsets = [1536, 0], sizes = [128, 64], strides = [1, 1]} : vector<2048x64xf32> to vector<128x64xf32>
    %dot_general3A_161 = arith.constant dense<0.000000e+00> : vector<128x64xf32>
    %dot_general3A_162 = tpu.matmul %convert_element_type3A_51, %slice3A_160, %dot_general3A_161 {dimension_numbers = #tpu.dot_dimension_numbers<[1], [0], [0], [1], [0, 0, 1, 1], [], []>, transpose_lhs_hint = false} : vector<128x128xf32>, vector<128x64xf32>, vector<128x64xf32> -> vector<128x64xf32>
    %add3A_163 = vector.broadcast %add3A_159 : vector<1x64xf32> to vector<128x64xf32>
    %add3A_164 = arith.addf %dot_general3A_162, %add3A_163 : vector<128x64xf32>
    %reduce_sum3A_165 = arith.constant dense<0.000000e+00> : vector<64xf32>
    %reduce_sum3A_166 = vector.multi_reduction <add>, %slice3A_160, %reduce_sum3A_165 [0] : vector<128x64xf32> to vector<64xf32>
    %broadcast_in_dim3A_167 = vector.shape_cast %reduce_sum3A_166 : vector<64xf32> to vector<1x64xf32>
    %add3A_168 = arith.addf %add3A_159, %broadcast_in_dim3A_167 : vector<1x64xf32>
    %slice3A_169 = vector.extract_strided_slice %add3A_47 {offsets = [1664, 0], sizes = [128, 64], strides = [1, 1]} : vector<2048x64xf32> to vector<128x64xf32>
    %dot_general3A_170 = arith.constant dense<0.000000e+00> : vector<128x64xf32>
    %dot_general3A_171 = tpu.matmul %convert_element_type3A_51, %slice3A_169, %dot_general3A_170 {dimension_numbers = #tpu.dot_dimension_numbers<[1], [0], [0], [1], [0, 0, 1, 1], [], []>, transpose_lhs_hint = false} : vector<128x128xf32>, vector<128x64xf32>, vector<128x64xf32> -> vector<128x64xf32>
    %add3A_172 = vector.broadcast %add3A_168 : vector<1x64xf32> to vector<128x64xf32>
    %add3A_173 = arith.addf %dot_general3A_171, %add3A_172 : vector<128x64xf32>
    %reduce_sum3A_174 = arith.constant dense<0.000000e+00> : vector<64xf32>
    %reduce_sum3A_175 = vector.multi_reduction <add>, %slice3A_169, %reduce_sum3A_174 [0] : vector<128x64xf32> to vector<64xf32>
    %broadcast_in_dim3A_176 = vector.shape_cast %reduce_sum3A_175 : vector<64xf32> to vector<1x64xf32>
    %add3A_177 = arith.addf %add3A_168, %broadcast_in_dim3A_176 : vector<1x64xf32>
    %slice3A_178 = vector.extract_strided_slice %add3A_47 {offsets = [1792, 0], sizes = [128, 64], strides = [1, 1]} : vector<2048x64xf32> to vector<128x64xf32>
    %dot_general3A_179 = arith.constant dense<0.000000e+00> : vector<128x64xf32>
    %dot_general3A_180 = tpu.matmul %convert_element_type3A_51, %slice3A_178, %dot_general3A_179 {dimension_numbers = #tpu.dot_dimension_numbers<[1], [0], [0], [1], [0, 0, 1, 1], [], []>, transpose_lhs_hint = false} : vector<128x128xf32>, vector<128x64xf32>, vector<128x64xf32> -> vector<128x64xf32>
    %add3A_181 = vector.broadcast %add3A_177 : vector<1x64xf32> to vector<128x64xf32>
    %add3A_182 = arith.addf %dot_general3A_180, %add3A_181 : vector<128x64xf32>
    %reduce_sum3A_183 = arith.constant dense<0.000000e+00> : vector<64xf32>
    %reduce_sum3A_184 = vector.multi_reduction <add>, %slice3A_178, %reduce_sum3A_183 [0] : vector<128x64xf32> to vector<64xf32>
    %broadcast_in_dim3A_185 = vector.shape_cast %reduce_sum3A_184 : vector<64xf32> to vector<1x64xf32>
    %add3A_186 = arith.addf %add3A_177, %broadcast_in_dim3A_185 : vector<1x64xf32>
    %slice3A_187 = vector.extract_strided_slice %add3A_47 {offsets = [1920, 0], sizes = [128, 64], strides = [1, 1]} : vector<2048x64xf32> to vector<128x64xf32>
    %dot_general3A_188 = arith.constant dense<0.000000e+00> : vector<128x64xf32>
    %dot_general3A_189 = tpu.matmul %convert_element_type3A_51, %slice3A_187, %dot_general3A_188 {dimension_numbers = #tpu.dot_dimension_numbers<[1], [0], [0], [1], [0, 0, 1, 1], [], []>, transpose_lhs_hint = false} : vector<128x128xf32>, vector<128x64xf32>, vector<128x64xf32> -> vector<128x64xf32>
    %add3A_190 = vector.broadcast %add3A_186 : vector<1x64xf32> to vector<128x64xf32>
    %add3A_191 = arith.addf %dot_general3A_189, %add3A_190 : vector<128x64xf32>
    %reduce_sum3A_192 = arith.constant dense<0.000000e+00> : vector<64xf32>
    %reduce_sum3A_193 = vector.multi_reduction <add>, %slice3A_187, %reduce_sum3A_192 [0] : vector<128x64xf32> to vector<64xf32>
    %broadcast_in_dim3A_194 = vector.shape_cast %reduce_sum3A_193 : vector<64xf32> to vector<1x64xf32>
    %add3A_195 = arith.addf %add3A_186, %broadcast_in_dim3A_194 : vector<1x64xf32>
    %concatenate3A = tpu.concatenate %add3A_57, %add3A_65, %add3A_74, %add3A_83, %add3A_92, %add3A_101, %add3A_110, %add3A_119, %add3A_128, %add3A_137, %add3A_146, %add3A_155, %add3A_164, %add3A_173, %add3A_182, %add3A_191 in 0 : vector<128x64xf32>, vector<128x64xf32>, vector<128x64xf32>, vector<128x64xf32>, vector<128x64xf32>, vector<128x64xf32>, vector<128x64xf32>, vector<128x64xf32>, vector<128x64xf32>, vector<128x64xf32>, vector<128x64xf32>, vector<128x64xf32>, vector<128x64xf32>, vector<128x64xf32>, vector<128x64xf32>, vector<128x64xf32> -> vector<2048x64xf32>
    %div3A_196 = arith.constant 6.400000e+01 : f32
    %div3A_197 = vector.broadcast %div3A_196 : f32 to vector<1x64xf32>
    %div3A_198 = arith.divf %add3A_195, %div3A_197 : vector<1x64xf32>
    %ceil3A = math.ceil %div3A_198 : vector<1x64xf32>
    %iota3A_199 = tpu.iota {dimensions = array<i32: 0>} : vector<64x64xi32>
    %iota3A_200 = tpu.iota {dimensions = array<i32: 1>} : vector<64x64xi32>
    %le3A = arith.cmpi sle, %iota3A_199, %iota3A_200 : vector<64x64xi32>
    %convert_element_type3A_201 = arith.extui %le3A : vector<64x64xi1> to vector<64x64xi32>
    %convert_element_type3A_202 = arith.sitofp %convert_element_type3A_201 : vector<64x64xi32> to vector<64x64xf32>
    %dot_general3A_203 = arith.constant dense<0.000000e+00> : vector<1x64xf32>
    %dot_general3A_204 = tpu.matmul %ceil3A, %convert_element_type3A_202, %dot_general3A_203 {dimension_numbers = #tpu.dot_dimension_numbers<[1], [0], [0], [1], [0, 0, 1, 1], [], []>, transpose_lhs_hint = false} : vector<1x64xf32>, vector<64x64xf32>, vector<1x64xf32> -> vector<1x64xf32>
    %sub3A_205 = arith.subf %dot_general3A_204, %ceil3A : vector<1x64xf32>
    %mul3A = arith.constant 6.400000e+01 : f32
    %mul3A_206 = vector.broadcast %mul3A : f32 to vector<1x64xf32>
    %mul3A_207 = arith.mulf %sub3A_205, %mul3A_206 : vector<1x64xf32>
    %add3A_208 = vector.broadcast %mul3A_207 : vector<1x64xf32> to vector<2048x64xf32>
    %add3A_209 = arith.addf %add3A_208, %concatenate3A : vector<2048x64xf32>
    %mul3A_210 = arith.mulf %convert_element_type3A_42, %add3A_209 : vector<2048x64xf32>
    %reduce_sum3A_211 = arith.constant dense<0.000000e+00> : vector<2048xf32>
    %reduce_sum3A_212 = vector.multi_reduction <add>, %mul3A_210, %reduce_sum3A_211 [1] : vector<2048x64xf32> to vector<2048xf32>
    %broadcast_in_dim3A_213 = vector.shape_cast %reduce_sum3A_212 : vector<2048xf32> to vector<2048x1xf32>
    %add3A_214 = vector.broadcast %mul3A_207 : vector<1x64xf32> to vector<2048x64xf32>
    %add3A_215 = arith.addf %add3A_214, %concatenate3A : vector<2048x64xf32>
    %mul3A_216 = arith.mulf %convert_element_type3A_46, %add3A_215 : vector<2048x64xf32>
    %reduce_sum3A_217 = arith.constant dense<0.000000e+00> : vector<2048xf32>
    %reduce_sum3A_218 = vector.multi_reduction <add>, %mul3A_216, %reduce_sum3A_217 [1] : vector<2048x64xf32> to vector<2048xf32>
    %broadcast_in_dim3A_219 = vector.shape_cast %reduce_sum3A_218 : vector<2048xf32> to vector<2048x1xf32>
    %convert_element_type3A_220 = arith.fptosi %broadcast_in_dim3A_213 : vector<2048x1xf32> to vector<2048x1xi32>
    %swap3A_221 = arith.constant 0 : index
    %swap3A_222 = arith.constant 0 : index
    %swap3A_223 = vector.load %arg2[%swap3A_221, %swap3A_222] : memref<2048x1xi32, #tpu.memory_space<vmem>>, vector<2048x1xi32>
    tpu.vector_store %arg2[%swap3A_221, %swap3A_222], %convert_element_type3A_220 {strides = array<i32>} : memref<2048x1xi32, #tpu.memory_space<vmem>>, vector<2048x1xi32>,
    %convert_element_type3A_224 = arith.fptosi %broadcast_in_dim3A_219 : vector<2048x1xf32> to vector<2048x1xi32>
    %swap3A_225 = arith.constant 0 : index
    %swap3A_226 = arith.constant 0 : index
    %swap3A_227 = vector.load %arg3[%swap3A_225, %swap3A_226] : memref<2048x1xi32, #tpu.memory_space<vmem>>, vector<2048x1xi32>
    tpu.vector_store %arg3[%swap3A_225, %swap3A_226], %convert_element_type3A_224 {strides = array<i32>} : memref<2048x1xi32, #tpu.memory_space<vmem>>, vector<2048x1xi32>,
    %slice3A_228 = vector.extract_strided_slice %dot_general3A_204 {offsets = [0, 63], sizes = [1, 1], strides = [1, 1]} : vector<1x64xf32> to vector<1x1xf32>
    %squeeze3A = vector.extract %slice3A_228[0, 0] : f32 from vector<1x1xf32>
    %convert_element_type3A_229 = arith.fptosi %slice3A_228 : vector<1x1xf32> to vector<1x1xi32>
    %swap3A_230 = arith.constant 0 : index
    %swap3A_231 = arith.constant 0 : index
    %swap3A_232 = vector.load %arg7[%swap3A_230, %swap3A_231] : memref<1x1xi32, #tpu.memory_space<vmem>>, vector<1x1xi32>
    tpu.vector_store %arg7[%swap3A_230, %swap3A_231], %convert_element_type3A_229 {strides = array<i32>} : memref<1x1xi32, #tpu.memory_space<vmem>>, vector<1x1xi32>,
    %iota3A_233 = tpu.iota {dimensions = array<i32: 0>} : vector<128x64xi32>
    %convert_element_type3A_234 = arith.sitofp %iota3A_233 : vector<128x64xi32> to vector<128x64xf32>
    %le3A_235 = vector.broadcast %dot_general3A_204 : vector<1x64xf32> to vector<128x64xf32>
    %le3A_236 = arith.cmpf ole, %le3A_235, %convert_element_type3A_234 : vector<128x64xf32>
    %convert_element_type3A_237 = arith.extui %le3A_236 : vector<128x64xi1> to vector<128x64xi32>
    %convert_element_type3A_238 = arith.sitofp %convert_element_type3A_237 : vector<128x64xi32> to vector<128x64xf32>
    %reduce_sum3A_239 = arith.constant dense<0.000000e+00> : vector<128xf32>
    %reduce_sum3A_240 = vector.multi_reduction <add>, %convert_element_type3A_238, %reduce_sum3A_239 [1] : vector<128x64xf32> to vector<128xf32>
    %broadcast_in_dim3A_241 = vector.shape_cast %reduce_sum3A_240 : vector<128xf32> to vector<128x1xf32>
    %iota3A_242 = tpu.iota {dimensions = array<i32: 1>} : vector<1x64xi32>
    %convert_element_type3A_243 = arith.sitofp %iota3A_242 : vector<1x64xi32> to vector<1x64xf32>
    %gt3A = arith.constant 0.000000e+00 : f32
    %gt3A_244 = vector.broadcast %gt3A : f32 to vector<1x64xf32>
    %gt3A_245 = arith.cmpf ogt, %add3A_195, %gt3A_244 : vector<1x64xf32>
    %jit3A_246 = arith.constant -1.000000e+00 : f32
    %broadcast_in_dim3A_247 = vector.broadcast %jit3A_246 : f32 to vector<1x64xf32>
    %select_n3A_248 = arith.select %gt3A_245, %convert_element_type3A_243, %broadcast_in_dim3A_247 : vector<1x64xi1>, vector<1x64xf32>
    %reduce_max3A_249 = vector.shape_cast %select_n3A_248 : vector<1x64xf32> to vector<1x1x64xf32>
    %reduce_max3A_250 = arith.constant dense<0xFF800000> : vector<1xf32>
    %reduce_max3A_251 = vector.multi_reduction <maximumf>, %reduce_max3A_249, %reduce_max3A_250 [1, 2] : vector<1x1x64xf32> to vector<1xf32>
    %reduce_max3A_252 = vector.shape_cast %reduce_max3A_251 : vector<1xf32> to vector<1x1x1xf32>
    %reduce_max3A_253 = vector.extract %reduce_max3A_252[0, 0, 0] : f32 from vector<1x1x1xf32>
    %iota3A_254 = tpu.iota {dimensions = array<i32: 0>} : vector<128x1xi32>
    %convert_element_type3A_255 = arith.sitofp %iota3A_254 : vector<128x1xi32> to vector<128x1xf32>
    %lt3A_256 = vector.broadcast %squeeze3A : f32 to vector<128x1xf32>
    %lt3A_257 = arith.cmpf olt, %convert_element_type3A_255, %lt3A_256 : vector<128x1xf32>
    %broadcast_in_dim3A_258 = vector.broadcast %reduce_max3A_253 : f32 to vector<128x1xf32>
    %select_n3A_259 = arith.select %lt3A_257, %broadcast_in_dim3A_241, %broadcast_in_dim3A_258 : vector<128x1xi1>, vector<128x1xf32>
    %convert_element_type3A_260 = arith.fptosi %select_n3A_259 : vector<128x1xf32> to vector<128x1xi32>
    %swap3A_261 = arith.constant 0 : index
    %swap3A_262 = arith.constant 0 : index
    %swap3A_263 = vector.load %arg6[%swap3A_261, %swap3A_262] : memref<128x1xi32, #tpu.memory_space<vmem>>, vector<128x1xi32>
    tpu.vector_store %arg6[%swap3A_261, %swap3A_262], %convert_element_type3A_260 {strides = array<i32>} : memref<128x1xi32, #tpu.memory_space<vmem>>, vector<128x1xi32>,
    return
  }
}

module attributes {stable_mosaic.version = 14 : i64} {
  func.func @_mm_body(%arg0: i32, %arg1: memref<128xi32, #tpu.memory_space<smem>>, %arg2: memref<1xi32, #tpu.memory_space<smem>>, %arg3: memref<64x1024xf32, #tpu.memory_space<vmem>>, %arg4: memref<1x1024x512xf32, #tpu.memory_space<vmem>>, %arg5: memref<1x1024x512xf32, #tpu.memory_space<vmem>>, %arg6: memref<1x512x1024xf32, #tpu.memory_space<vmem>>, %arg7: memref<64x1xf32, #tpu.memory_space<vmem>>, %arg8: memref<64x1024xf32, #tpu.memory_space<vmem>>) attributes {dimension_semantics = [#tpu.dimension_semantics<arbitrary>], iteration_bounds = array<i64: 128>, scalar_prefetch = 2 : i64, scratch_operands = 0 : i64, tpu.core_type = #tpu.core_type<tc>, window_params = [{transform_indices = @transform_0, window_bounds = array<i64: 64, 1024>}, {transform_indices = @transform_1, window_bounds = array<i64: 1, 1024, 512>}, {transform_indices = @transform_2, window_bounds = array<i64: 1, 1024, 512>}, {transform_indices = @transform_3, window_bounds = array<i64: 1, 512, 1024>}, {transform_indices = @transform_4, window_bounds = array<i64: 64, 1>}, {transform_indices = @transform_5, window_bounds = array<i64: 64, 1024>}]} {
    %get3A = arith.constant 0 : index
    %get3A_0 = memref.load %arg2[%get3A] : memref<1xi32, #tpu.memory_space<smem>>
    %lt3A = arith.cmpi slt, %arg0, %get3A_0 : i32
    %convert_element_type3A = arith.extui %lt3A : i1 to i32
    %cond3A = arith.constant 0 : i32
    %cond3A_1 = arith.cmpi ne, %convert_element_type3A, %cond3A : i32
    scf.if %cond3A_1 {
      %get3A_2 = arith.constant 0 : index
      %get3A_3 = arith.constant 0 : index
      %get3A_4 = vector.load %arg3[%get3A_2, %get3A_3] : memref<64x1024xf32, #tpu.memory_space<vmem>>, vector<64x1024xf32>
      %convert_element_type3A_5 = arith.truncf %get3A_4 : vector<64x1024xf32> to vector<64x1024xbf16>
      %get3A_6 = arith.constant 0 : index
      %get3A_7 = arith.constant 0 : index
      %get3A_8 = arith.constant 0 : index
      %get3A_9 = vector.load %arg4[%get3A_6, %get3A_7, %get3A_8] : memref<1x1024x512xf32, #tpu.memory_space<vmem>>, vector<1x1024x512xf32>
      %get3A_10 = vector.shape_cast %get3A_9 : vector<1x1024x512xf32> to vector<1024x512xf32>
      %convert_element_type3A_11 = arith.truncf %get3A_10 : vector<1024x512xf32> to vector<1024x512xbf16>
      %dot_general3A = arith.constant dense<0.000000e+00> : vector<64x512xf32>
      %dot_general3A_12 = tpu.matmul %convert_element_type3A_5, %convert_element_type3A_11, %dot_general3A {dimension_numbers = #tpu.dot_dimension_numbers<[1], [0], [0], [1], [0, 0, 1, 1], [], []>, transpose_lhs_hint = false} : vector<64x1024xbf16>, vector<1024x512xbf16>, vector<64x512xf32> -> vector<64x512xf32>
      %get3A_13 = arith.constant 0 : index
      %get3A_14 = arith.constant 0 : index
      %get3A_15 = arith.constant 0 : index
      %get3A_16 = vector.load %arg5[%get3A_13, %get3A_14, %get3A_15] : memref<1x1024x512xf32, #tpu.memory_space<vmem>>, vector<1x1024x512xf32>
      %get3A_17 = vector.shape_cast %get3A_16 : vector<1x1024x512xf32> to vector<1024x512xf32>
      %convert_element_type3A_18 = arith.truncf %get3A_17 : vector<1024x512xf32> to vector<1024x512xbf16>
      %dot_general3A_19 = arith.constant dense<0.000000e+00> : vector<64x512xf32>
      %dot_general3A_20 = tpu.matmul %convert_element_type3A_5, %convert_element_type3A_18, %dot_general3A_19 {dimension_numbers = #tpu.dot_dimension_numbers<[1], [0], [0], [1], [0, 0, 1, 1], [], []>, transpose_lhs_hint = false} : vector<64x1024xbf16>, vector<1024x512xbf16>, vector<64x512xf32> -> vector<64x512xf32>
      %logistic3A = arith.negf %dot_general3A_12 : vector<64x512xf32>
      %logistic3A_21 = math.exp %logistic3A : vector<64x512xf32>
      %logistic3A_22 = arith.constant 1.000000e+00 : f32
      %logistic3A_23 = vector.broadcast %logistic3A_22 : f32 to vector<64x512xf32>
      %logistic3A_24 = arith.addf %logistic3A_23, %logistic3A_21 : vector<64x512xf32>
      %logistic3A_25 = arith.divf %logistic3A_23, %logistic3A_24 : vector<64x512xf32>
      %mul3A = arith.mulf %dot_general3A_12, %logistic3A_25 : vector<64x512xf32>
      %mul3A_26 = arith.mulf %mul3A, %dot_general3A_20 : vector<64x512xf32>
      %convert_element_type3A_27 = arith.truncf %mul3A_26 : vector<64x512xf32> to vector<64x512xbf16>
      %get3A_28 = arith.constant 0 : index
      %get3A_29 = arith.constant 0 : index
      %get3A_30 = arith.constant 0 : index
      %get3A_31 = vector.load %arg6[%get3A_28, %get3A_29, %get3A_30] : memref<1x512x1024xf32, #tpu.memory_space<vmem>>, vector<1x512x1024xf32>
      %get3A_32 = vector.shape_cast %get3A_31 : vector<1x512x1024xf32> to vector<512x1024xf32>
      %convert_element_type3A_33 = arith.truncf %get3A_32 : vector<512x1024xf32> to vector<512x1024xbf16>
      %dot_general3A_34 = arith.constant dense<0.000000e+00> : vector<64x1024xf32>
      %dot_general3A_35 = tpu.matmul %convert_element_type3A_27, %convert_element_type3A_33, %dot_general3A_34 {dimension_numbers = #tpu.dot_dimension_numbers<[1], [0], [0], [1], [0, 0, 1, 1], [], []>, transpose_lhs_hint = false} : vector<64x512xbf16>, vector<512x1024xbf16>, vector<64x1024xf32> -> vector<64x1024xf32>
      %get3A_36 = arith.constant 0 : index
      %get3A_37 = arith.constant 0 : index
      %get3A_38 = vector.load %arg7[%get3A_36, %get3A_37] : memref<64x1xf32, #tpu.memory_space<vmem>>, vector<64x1xf32>
      %mul3A_39 = vector.broadcast %get3A_38 : vector<64x1xf32> to vector<64x1024xf32>
      %mul3A_40 = arith.mulf %dot_general3A_35, %mul3A_39 : vector<64x1024xf32>
      %swap3A = arith.constant 0 : index
      %swap3A_41 = arith.constant 0 : index
      %swap3A_42 = vector.load %arg8[%swap3A, %swap3A_41] : memref<64x1024xf32, #tpu.memory_space<vmem>>, vector<64x1024xf32>
      tpu.vector_store %arg8[%swap3A, %swap3A_41], %mul3A_40 {strides = array<i32>} : memref<64x1024xf32, #tpu.memory_space<vmem>>, vector<64x1024xf32>,
    } else {
    }
    return
  }
  func.func @transform_0(%arg0: i32, %arg1: memref<128xi32, #tpu.memory_space<smem>>, %arg2: memref<1xi32, #tpu.memory_space<smem>>) -> (i32, i32) {
    %get3A = arith.constant 0 : index
    %get3A_0 = memref.load %arg2[%get3A] : memref<1xi32, #tpu.memory_space<smem>>
    %sub3A = arith.constant 1 : i32
    %sub3A_1 = arith.subi %get3A_0, %sub3A : i32
    %min3A = arith.minsi %arg0, %sub3A_1 : i32
    %c0_i32 = arith.constant 0 : i32
    %c0_i32_2 = arith.constant 0 : i32
    return %min3A, %c0_i32 : i32, i32
  }
  func.func @transform_1(%arg0: i32, %arg1: memref<128xi32, #tpu.memory_space<smem>>, %arg2: memref<1xi32, #tpu.memory_space<smem>>) -> (i32, i32, i32) {
    %get3A = arith.index_cast %arg0 : i32 to index
    %get3A_0 = memref.load %arg1[%get3A] : memref<128xi32, #tpu.memory_space<smem>>
    %c0_i32 = arith.constant 0 : i32
    %c0_i32_1 = arith.constant 0 : i32
    %c0_i32_2 = arith.constant 0 : i32
    return %get3A_0, %c0_i32, %c0_i32_1 : i32, i32, i32
  }
  func.func @transform_2(%arg0: i32, %arg1: memref<128xi32, #tpu.memory_space<smem>>, %arg2: memref<1xi32, #tpu.memory_space<smem>>) -> (i32, i32, i32) {
    %get3A = arith.index_cast %arg0 : i32 to index
    %get3A_0 = memref.load %arg1[%get3A] : memref<128xi32, #tpu.memory_space<smem>>
    %c0_i32 = arith.constant 0 : i32
    %c0_i32_1 = arith.constant 0 : i32
    %c0_i32_2 = arith.constant 0 : i32
    return %get3A_0, %c0_i32, %c0_i32_1 : i32, i32, i32
  }
  func.func @transform_3(%arg0: i32, %arg1: memref<128xi32, #tpu.memory_space<smem>>, %arg2: memref<1xi32, #tpu.memory_space<smem>>) -> (i32, i32, i32) {
    %get3A = arith.index_cast %arg0 : i32 to index
    %get3A_0 = memref.load %arg1[%get3A] : memref<128xi32, #tpu.memory_space<smem>>
    %c0_i32 = arith.constant 0 : i32
    %c0_i32_1 = arith.constant 0 : i32
    %c0_i32_2 = arith.constant 0 : i32
    return %get3A_0, %c0_i32, %c0_i32_1 : i32, i32, i32
  }
  func.func @transform_4(%arg0: i32, %arg1: memref<128xi32, #tpu.memory_space<smem>>, %arg2: memref<1xi32, #tpu.memory_space<smem>>) -> (i32, i32) {
    %get3A = arith.constant 0 : index
    %get3A_0 = memref.load %arg2[%get3A] : memref<1xi32, #tpu.memory_space<smem>>
    %sub3A = arith.constant 1 : i32
    %sub3A_1 = arith.subi %get3A_0, %sub3A : i32
    %min3A = arith.minsi %arg0, %sub3A_1 : i32
    %c0_i32 = arith.constant 0 : i32
    %c0_i32_2 = arith.constant 0 : i32
    return %min3A, %c0_i32 : i32, i32
  }
  func.func @transform_5(%arg0: i32, %arg1: memref<128xi32, #tpu.memory_space<smem>>, %arg2: memref<1xi32, #tpu.memory_space<smem>>) -> (i32, i32) {
    %get3A = arith.constant 0 : index
    %get3A_0 = memref.load %arg2[%get3A] : memref<1xi32, #tpu.memory_space<smem>>
    %sub3A = arith.constant 1 : i32
    %sub3A_1 = arith.subi %get3A_0, %sub3A : i32
    %min3A = arith.minsi %arg0, %sub3A_1 : i32
    %c0_i32 = arith.constant 0 : i32
    %c0_i32_2 = arith.constant 0 : i32
    return %min3A, %c0_i32 : i32, i32
  }
}

</mosaic_0001>

<sc_bundles>
// kernel: kernel.6.cloned.1.call-start
scs
__scs_entry_jumppad:
0x0: {  	(pc) =	sbr.rel $0x88, $3  }
0x1: {  	(tag) =	ssettag $0x0;
	lr =	simm.s32 $0x1  }
0x2: {  	[smem:$0x3F9C] =	sst lr;
	_ =	strace $0xD0000000  }
0x3: {  	_ = 	snop  }
0x4: {  	_ = 	snop  }
0x5: {  	_ = 	snop  }
0x6: {  	_ = 	snop  }
0x7: {  	_ = 	snop  }
__scs_overlays_trampoline_lowered:
0x8: {  	[smem:$0x3FAB] =	sst s0  }
0x9: {  	[smem:$0x3FAC] =	sst s1  }
0xa: {  	[smem:$0x3FAD] =	sst s2  }
0xb: {  	[smem:$0x3FAE] =	sst s3  }
0xc: {  	[smem:$0x3FAF] =	sst s4  }
0xd: {  	[smem:$0x3FB0] =	sst s5  }
0xe: {  	[smem:$0x3FB1] =	sst s6  }
0xf: {  	[smem:$0x3FB2] =	sst s7  }
0x10: {  	[smem:$0x3FB3] =	sst s8  }
0x11: {  	[smem:$0x3FB4] =	sst s9;
	s0 =	simm.s32 @!p0 $0x0  }
0x12: {  	s1 =	sld [smem:$0x3F9A];
	s0 =	simm.s32 @p0 $0x1  }
0x13: {  	[smem:$0x3FB5] =	sst s0;
	s0 =	simm.s32 @!p1 $0x0  }
0x14: {  	s2 =	sld [smem:$0x3F99];
	s0 =	simm.s32 @p1 $0x1  }
0x15: {  	[smem:$0x3FB6] =	sst s0;
	s0 =	simm.s32 @!p2 $0x0  }
0x16: {  	s3 =	sld [smem:$0x3FDB];
	s0 =	simm.s32 @p2 $0x1  }
0x17: {  	s4 =	simm.s32 $0x1BF5;
	[smem:$0x3FB8] =	sst s0  }
0x18: {  	s0 =	sld [smem:$0x3F9B];
	_ =	swait.ge [sflag:s4], $0x0  }
0x19: {  	s7 =	sld [smem:$0x3F9C]  }
0x1a: {  	s8 =	sadd.s32 $0xFFFFE003, lr  }
0x1b: {  	s9 =	sadd.s32 $0xFFFFFEF7, lr;
	s5 =	simm.s32 $0xFFFFFFFF;
	p2 =	slt.u32 s8, $0xFFFFF086  }
0x1c: {  	p1 =	slt.u32 s9, $0xF7A;
	s5 =	simm.s32 @!p2 $0x0  }
0x1d: {  	s5 =	simm.s32 @p1 $0x1;
	p0 =	seq.s32 s7, s2  }
0x1e: {  	s7 =	smul.u32 @!p0 $0xF7A, s2;
	p2 =	seq.s32 @!p0 s5, $0x0  }
0x1f: {  	s9 =	smul.u32 $0xF7A, s1;
	s8 =	simm.s32 @!p0 $0x1BF5;
	p2 =	por !p2, p0  }
0x20: {  	[sflag:s8] =	ssyncset.s32 @!p0 $0xFFFFF086;
	s6 =	sadd.s32 @!p0 s3, s7;
	s7 =	simm.s32 @!p0 $0x108  }
0x21: {  	s3 =	sadd.s32 s3, s9;
	s6 =	sadd.s32 @!p0 $0x88, s6;
	s7 =	simm.s32 @p2 $0x1082  }
0x22: {  	[simem:s7], [sflag:s8] =	dma.local @!p0 [hbm:s6], $0xF7A  }
0x23: {  	s9 =	sor.u32 $0xD0000000, s2;
	s6 =	simm.s32 $0x108;
	_ =	swait.ge @!p0 [sflag:s8], $0x0  }
0x24: {  	s3 =	sadd.s32 $0x88, s3;
	s6 =	simm.s32 @!p1 $0x1082;
	[sflag:s4] =	ssyncset.s32 $0xFFFFF086  }
0x25: {  	[simem:s6], [sflag:s4] =	dma.local [hbm:s3], $0xF7A  }
0x26: {  	[smem:$0x3F9C] =	sst s1;
	(tag) =	ssettag s2;
	_ =	strace s9  }
0x27: {  	s1 =	sld [smem:$0x3FAC]  }
0x28: {  	s2 =	sld [smem:$0x3FAD]  }
0x29: {  	s4 =	sld [smem:$0x3FAF]  }
0x2a: {  	p0 =	seq.s32 s5, $0x0;
	s5 =	sld [smem:$0x3FB0]  }
0x2b: {  	s6 =	sld [smem:$0x3FB1]  }
0x2c: {  	s7 =	sld [smem:$0x3FB2]  }
0x2d: {  	s3 =	simm.s32 $0x108;
	s8 =	sld [smem:$0x3FB3]  }
0x2e: {  	s3 =	simm.s32 @!p0 $0x1082;
	s9 =	sld [smem:$0x3FB4]  }
0x2f: {  	lr =	sadd.s32 s0, s3;
	s0 =	sld [smem:$0x3FAB]  }
0x30: {  	s3 =	sld [smem:$0x3FAE]  }
0x31: {  	[smem:$0x3FB7] =	sst s10  }
0x32: {  	s10 =	sld [smem:$0x3FB5];
	_ =	sdelay $0x3  }
0x33: {  	p0 =	seq.s32 s10, $0x1;
	s10 =	sld [smem:$0x3FB7];
	_ =	sdelay $0x3  }
0x34: {  	[smem:$0x3FB7] =	sst s10  }
0x35: {  	s10 =	sld [smem:$0x3FB6];
	_ =	sdelay $0x3  }
0x36: {  	p1 =	seq.s32 s10, $0x1;
	s10 =	sld [smem:$0x3FB7];
	_ =	sdelay $0x3  }
0x37: {  	[smem:$0x3FB7] =	sst s10  }
0x38: {  	s10 =	sld [smem:$0x3FB8]  }
0x39: {  	_ = 	snop;
	(pc) =	sbr.ind lr, $3  }
0x3a: {  	_ = 	snop  }
0x3b: {  	_ = 	snop  }
0x3c: {  	p2 =	seq.s32 s10, $0x1;
	s10 =	sld [smem:$0x3FB7]  }
0x3d: {  	_ =	shalt  }
0x3e: {  	_ =	shalt  }
0x3f: {  	_ =	shalt  }
0x40: {  	_ =	shalt  }
0x41: {  	_ =	shalt  }
0x42: {  	_ =	shalt  }
0x43: {  	_ =	shalt  }
0x44: {  	_ =	shalt  }
0x45: {  	_ =	shalt  }
0x46: {  	_ =	shalt  }
0x47: {  	_ =	shalt  }
0x48: {  	_ =	shalt  }
0x49: {  	_ =	shalt  }
0x4a: {  	_ =	shalt  }
0x4b: {  	_ =	shalt  }
0x4c: {  	_ =	shalt  }
0x4d: {  	_ =	shalt  }
0x4e: {  	_ =	shalt  }
0x4f: {  	_ =	shalt  }
0x50: {  	_ =	shalt  }
0x51: {  	_ =	shalt  }
0x52: {  	_ =	shalt  }
0x53: {  	_ =	shalt  }
0x54: {  	_ =	shalt  }
0x55: {  	_ =	shalt  }
0x56: {  	_ =	shalt  }
0x57: {  	_ =	shalt  }
0x58: {  	_ =	shalt  }
0x59: {  	_ =	shalt  }
0x5a: {  	_ =	shalt  }
0x5b: {  	_ =	shalt  }
0x5c: {  	_ =	shalt  }
0x5d: {  	_ =	shalt  }
0x5e: {  	_ =	shalt  }
0x5f: {  	_ =	shalt  }
0x60: {  	_ =	shalt  }
0x61: {  	_ =	shalt  }
0x62: {  	_ =	shalt  }
0x63: {  	_ =	shalt  }
0x64: {  	_ =	shalt  }
0x65: {  	_ =	shalt  }
0x66: {  	_ =	shalt  }
0x67: {  	_ =	shalt  }
0x68: {  	_ =	shalt  }
0x69: {  	_ =	shalt  }
0x6a: {  	_ =	shalt  }
0x6b: {  	_ =	shalt  }
0x6c: {  	_ =	shalt  }
0x6d: {  	_ =	shalt  }
0x6e: {  	_ =	shalt  }
0x6f: {  	_ =	shalt  }
0x70: {  	_ =	shalt  }
0x71: {  	_ =	shalt  }
0x72: {  	_ =	shalt  }
0x73: {  	_ =	shalt  }
0x74: {  	_ =	shalt  }
0x75: {  	_ =	shalt  }
0x76: {  	_ =	shalt  }
0x77: {  	_ =	shalt  }
0x78: {  	_ =	shalt  }
0x79: {  	_ =	shalt  }
0x7a: {  	_ =	shalt  }
0x7b: {  	_ =	shalt  }
0x7c: {  	_ =	shalt  }
0x7d: {  	_ =	shalt  }
0x7e: {  	_ =	shalt  }
0x7f: {  	_ =	shalt  }
0x80: {  	_ =	shalt  }
0x81: {  	_ =	shalt  }
0x82: {  	_ =	shalt  }
0x83: {  	_ =	shalt  }
0x84: {  	_ =	shalt  }
0x85: {  	_ =	shalt  }
0x86: {  	_ =	shalt  }
0x87: {  	_ =	shalt  }
.Lfunc_end0:
.L_simem_size_0:
called_computation_lowered:
.L_overlay_start_0:
0x88: {  	s2 =	sld [smem:$0x3FD9]  }
0x89: {  	s3 =	sld [smem:$0x3FFE];
	_ =	sdelay $0x1  }
0x8a: {  	s1 =	srdreg.scid  }
0x8b: {  	s0 =	sand.u32 $0x1, s1  }
0x8c: {  	s17 =	sshll.u32 s0, $0xA;
	s2 =	sadd.s32 s3, s2  }
0x8d: {  	s2 =	sadd.s32 s2, s17  }
0x8e: {  	[smem:$0x3FC3] =	sst s2  }
0x8f: {  	_ = 	snop  }
0x90: {  	s2 =	sld [smem:$0x3FC9]  }
0x91: {  	s18 =	sld [smem:$0x3FD0];
	(tm) =	ssettm $0x1  }
0x92: {  	s4 =	sld [smem:$0x3FFB];
	_ =	sdelay $0x3  }
0x93: {  	_ =	strace s4  }
0x94: {  	s4 =	sld [smem:$0x3FFC];
	_ =	sdelay $0x3  }
0x95: {  	_ =	strace s4  }
0x96: {  	s4 =	sld [smem:$0x3FFD];
	_ =	sdelay $0x3  }
0x97: {  	_ =	strace s4  }
0x98: {  	_ =	strace $0x8FFFFFFF  }
0x99: {  	s19 =	sld [smem:$0x3FDB];
	_ =	sdelay $0x1  }
0x9a: {  	s5 =	simm.s32 $_scs_section_size  }
0x9b: {  	s6 =	simm.s32 $_size__tile_overlayer_lowered;
	s7 =	simm.s32 $_tile_overlayer_lowered  }
0x9c: {  	s22 =	simm.s32 $0x1BFF;
	s21 =	sshll.u32 s7, $0x1;
	s4 =	sadd.s32 s5, s19  }
0x9d: {  	s8 =	simm.s32 $0x0;
	s20 =	sshll.u32 s6, $0x1;
	s6 =	sadd.s32 s21, s4  }
0x9e: {  	[timem:s8], [sflag:s22] =	dma.local [hbm:s6], s20  }
0x9f: {  	_ =	swait.ge [sflag:s22], s20  }
0xa0: {  	s5 =	ssub.s32 $0x0, s20;
	[sflag:s22] =	ssyncset.done $0x0  }
0xa1: {  	[sflag:s22] =	ssyncadd.s32 s5;
	_ =	sdelay $0x1  }
0xa2: {  	s23 =	simm.s32 $0x1B8B  }
0xa3: {  	_ =	swait.ge [sflag:s23], $0x1  }
0xa4: {  	[sflag:s23] =	ssyncset.done $0x0  }
0xa5: {  	s25 =	simm.s32 $0x1B8E;
	s24 =	sld [smem:$0x3FFE];
	[sflag:s23] =	ssyncadd.s32 $0xFFFFFFFF  }
0xa6: {  	s26 =	simm.s32 $execute0_lowered;
	[smem:$0x3FD2] =	sst s25  }
0xa7: {  	s6 =	sshll.u32 s26, $0x1;
	_ =	strace $0x80000046;
	[dreg:$0x1] =	wrdreg $0xFFFFFFFF  }
0xa8: {  	s28 =	simm.s32 $_size_execute0_lowered;
	s4 =	sadd.s32 s4, s6;
	[dreg:$0x0] =	wrdreg $0x0  }
0xa9: {  	s6 =	sshll.u32 s28, $0x1;
	[dreg:$0x2] =	wrdreg s4  }
0xaa: {  	[dreg:$0x3] =	wrdreg s6  }
0xab: {  	[dreg:$0x4] =	wrdreg $0xC0  }
0xac: {  	_ =	task [dreg:s8], $0x5FFFF  }
0xad: {  	[dreg:$0x1] =	wrdreg $0xFFFFFFFF  }
0xae: {  	[dreg:$0x0] =	wrdreg $0x60  }
0xaf: {  	[dreg:$0x2] =	wrdreg s2  }
0xb0: {  	[dreg:$0x3] =	wrdreg s18  }
0xb1: {  	[dreg:$0x4] =	wrdreg s24  }
0xb2: {  	[dreg:$0x5] =	wrdreg $0x9  }
0xb3: {  	_ =	task.clear_ibuf [dreg:s8], $0x6FFFF;
	_ =	strace $0x90000046  }
0xb4: {  	s29 =	simm.s32 $0x9;
	_ =	strace $0x80000048  }
0xb5: {  	_ =	swait.ge [sflag:s29], $0x1  }
0xb6: {  	[sflag:s29] =	ssyncadd.s32 $0xFFFFFFFF  }
0xb7: {  	_ =	strace $0x90000048  }
0xb8: {  	_ =	sfence  }
0xb9: {  	s30 =	sld [smem:$0x0];
	_ =	sdelay $0x2  }
0xba: {  	s31 =	sshll.u32 s1, $0xD;
	s1 =	sshrl.u32 s1, $0x2  }
0xbb: {  	s3 =	sand.u32 $0x4000, s31;
	s1 =	sadd.s32 s1, s30  }
0xbc: {  	s0 =	sor.u32 s3, s0;
	s1 =	sshll.u32 s1, $0x11  }
0xbd: {  	s0 =	sor.u32 s1, s0  }
0xbe: {  	s0 =	sadd.s32 $0x8F2B, s0  }
0xbf: {  	[sflag:s0] =	ssyncadd.remote.s32 $0x1  }
0xc0: {  	_ =	sfence.sel $0xFFFF  }
0xc1: {  	[dreg:$0x0] =	wrdreg $0xFFFFFFFF;
	(pc) =	sbr.abs _section_cstart, $3  }
0xc2: {  	[dreg:$0x1] =	wrdreg $0xFFFFFFFF  }
0xc3: {  	_ =	task.clear_ibuf [dreg:s8], $0x2FFFF;
	_ =	strace $0x9FFFFFFF  }
0xc4: {  	(tm) =	ssettm $0x7FFFFFFF  }
0xc5: {  	_ =	shalt  }
tec
execute0_lowered:
.L_overlay_start_1:
0x0: {  	(tag) =	ssettag $0x1  }
0x1: {  	s1 =	rddreg [dreg:$0x0]  }
0x2: {  	s0 =	srdreg.scid;
	s2 =	rddreg [dreg:$0x1]  }
0x3: {  	s3 =	stileid.u32;
	s4 =	rddreg [dreg:$0x2];
	s9 =	simm.s32 $0x100  }
0x4: {  	s17 =	simm.s32 $0x1;
	s28 =	simm.s32 $0x2900;
	s29 =	simm.s32 $0x3100  }
0x5: {  	s30 =	simm.s32 $0x3900;
	s31 =	simm.s32 $0x4100;
	s15 =	simm.s32 $0x5100  }
0x6: {  	s8 =	simm.s32 $0x5900;
	s10 =	simm.s32 $0x6100;
	s0 =	sand.u32 $0x1, s0  }
0x7: {  	s11 =	simm.s32 $0x6900;
	s5 =	sshll.u32 s3, $0x9;
	s6 =	sshll.u32 s0, $0x8  }
0x8: {  	s12 =	simm.s32 $0x7100;
	s13 =	simm.s32 $0x7900;
	s5 =	sor.u32 s6, s5  }
0x9: {  	s3 =	simm.s32 $0x0;
	s6 =	sshll.u32 s5, $0x7;
	s5 =	sshrl.u32 s5, $0x3  }
0xa: {  	[smem:$0x7FF] =	sst s3;
	s7 =	sadd.s32 s6, s4;
	s2 =	sadd.s32 s2, s5  }
0xb: {  	_ =	strace $0x80000047;
	[dreg:$0x4] =	wrdreg s2;
	s18 =	sadd.s32 $0x200, s7  }
0xc: {  	s0 =	ssub.s32 $0x2, s0;
	s19 =	sadd.s32 $0x1200, s7;
	[dreg:$0x5] =	wrdreg s18  }
0xd: {  	s21 =	sshrl.u32 s0, $0x1;
	s20 =	sadd.s32 $0x2200, s7;
	[dreg:$0x6] =	wrdreg s19  }
0xe: {  	s0 =	ssub.s32 s0, s21;
	s22 =	sadd.s32 $0x3200, s7;
	[dreg:$0x7] =	wrdreg s20  }
0xf: {  	s4 =	sadd.s32 $0x100, s1;
	s23 =	sadd.s32 $0x4200, s7;
	[dreg:$0x8] =	wrdreg s22  }
0x10: {  	s5 =	sadd.s32 $0x200, s1;
	s24 =	sadd.s32 $0x5200, s7;
	[dreg:$0x9] =	wrdreg s23  }
0x11: {  	s6 =	sadd.s32 $0x300, s1;
	s25 =	sadd.s32 $0x6200, s7;
	[dreg:$0xa] =	wrdreg s24  }
0x12: {  	s26 =	sadd.s32 $0x7200, s7;
	s7 =	smax.u32 s0, $0x1;
	[dreg:$0xb] =	wrdreg s25  }
0x13: {  	v2 =	vlaneseq.u32;
	[dreg:$0xc] =	wrdreg s26;
	s25 =	simm.s32 $0x8100;
	s18 =	simm.s32 $0x3  }
0x14: {  	vm0 =	vmmov $0xffff;
	v1 =	vshrl.u32 v2, $0x3;
	s19 =	simm.s32 $0x2;
	s20 =	simm.s32 $0x4;
	s22 =	simm.s32 $0x900  }
0x15: {  	v0 =	vand.u32 $0x7, v2;
	v2 =	vor.u32 $0x8, v2;
	v1 =	vmul.u32 $0x8, v1;
	s23 =	simm.s32 $0x1100;
	s24 =	simm.s32 $0x1900;
	s26 =	simm.s32 $0x2100  }
.LBB2_1:
0x16: {  	s21 =	rddreg [dreg:$0x4];
	s14 =	simm.s32 $0x5  }
0x17: {  	[tilespmem:s3], [sflag:$0x5] =	stream.linear.gather [hbm4b:s21+s3], $0x100, $0x38;
	[tilespmem:$0x10100] =	vst v63  }
0x18: {  	_ =	swait.ge [sflag:s14], $0x100  }
0x19: {  	[sflag:s14] =	ssyncset.done $0x0  }
0x1a: {  	[sflag:s14] =	ssyncadd.s32 $0xFFFFFF00  }
0x1b: {  	v3 =	vld [tilespmem:$0x0];
	_ =	sdelay $0x4  }
0x1c: {  	v4 =	vshll.u32 v3, $0x3  }
0x1d: {  	v3 =	vand.u32 $0x7, v3;
	v4 =	vand.u32 $0xFFFFFFC0, v4  }
0x1e: {  	v3 =	vor.u32 v3, v4  }
0x1f: {  	v4 =	vperm.xlane v3, v0;
	_ =	sdelay $0x1  }
0x20: {  	v4 =	vadd.s32 v1, v4;
	_ =	sdelay $0x4  }
0x21: {  	[tilespmem:s9], [sflag:$0x1] =	stream.indirect_vreg.gather [hbm4b:s1+s3], $0x80, v4, vm0, $0xb8;
	[tilespmem:$0x10100] =	vst v63  }
0x22: {  	v3 =	vperm.xlane v3, v2  }
0x23: {  	[tilespmem:s22], [sflag:$0x1] =	stream.indirect_vreg.gather [hbm4b:s4+s3], $0x80, v4, vm0, $0xb8;
	[tilespmem:$0x10100] =	vst v63  }
0x24: {  	v3 =	vadd.s32 v1, v3  }
0x25: {  	[tilespmem:s23], [sflag:$0x1] =	stream.indirect_vreg.gather [hbm4b:s5+s3], $0x80, v4, vm0, $0xb8;
	[tilespmem:$0x10100] =	vst v63  }
0x26: {  	_ = 	snop  }
0x27: {  	[tilespmem:s24], [sflag:$0x1] =	stream.indirect_vreg.gather [hbm4b:s6+s3], $0x80, v4, vm0, $0xb8;
	[tilespmem:$0x10100] =	vst v63  }
0x28: {  	_ = 	snop  }
0x29: {  	[tilespmem:s26], [sflag:$0x1] =	stream.indirect_vreg.gather [hbm4b:s1+s3], $0x80, v3, vm0, $0xb8;
	[tilespmem:$0x10100] =	vst v63  }
0x2a: {  	_ = 	snop  }
0x2b: {  	[tilespmem:s28], [sflag:$0x1] =	stream.indirect_vreg.gather [hbm4b:s4+s3], $0x80, v3, vm0, $0xb8;
	[tilespmem:$0x10100] =	vst v63  }
0x2c: {  	_ = 	snop  }
0x2d: {  	[tilespmem:s29], [sflag:$0x1] =	stream.indirect_vreg.gather [hbm4b:s5+s3], $0x80, v3, vm0, $0xb8;
	[tilespmem:$0x10100] =	vst v63  }
0x2e: {  	_ = 	snop  }
0x2f: {  	[tilespmem:s30], [sflag:$0x1] =	stream.indirect_vreg.gather [hbm4b:s6+s3], $0x80, v3, vm0, $0xb8;
	[tilespmem:$0x10100] =	vst v63  }
0x30: {  	v3 =	vld [tilespmem:$0x10];
	_ =	sdelay $0x4  }
0x31: {  	v49 =	vshll.u32 v3, $0x3  }
0x32: {  	v3 =	vand.u32 $0x7, v3;
	v4 =	vand.u32 $0xFFFFFFC0, v49  }
0x33: {  	v3 =	vor.u32 v3, v4  }
0x34: {  	v4 =	vperm.xlane v3, v0;
	_ =	sdelay $0x1  }
0x35: {  	v4 =	vadd.s32 v1, v4;
	_ =	sdelay $0x4  }
0x36: {  	[tilespmem:s31], [sflag:$0x1] =	stream.indirect_vreg.gather [hbm4b:s1+s3], $0x80, v4, vm0, $0xb8;
	[tilespmem:$0x10100] =	vst v63  }
0x37: {  	s2 =	simm.s32 $0x4900;
	v3 =	vperm.xlane v3, v2  }
0x38: {  	[tilespmem:s2], [sflag:$0x1] =	stream.indirect_vreg.gather [hbm4b:s4+s3], $0x80, v4, vm0, $0xb8;
	[tilespmem:$0x10100] =	vst v63  }
0x39: {  	v3 =	vadd.s32 v1, v3  }
0x3a: {  	[tilespmem:s15], [sflag:$0x1] =	stream.indirect_vreg.gather [hbm4b:s5+s3], $0x80, v4, vm0, $0xb8;
	[tilespmem:$0x10100] =	vst v63  }
0x3b: {  	_ = 	snop  }
0x3c: {  	[tilespmem:s8], [sflag:$0x1] =	stream.indirect_vreg.gather [hbm4b:s6+s3], $0x80, v4, vm0, $0xb8;
	[tilespmem:$0x10100] =	vst v63  }
0x3d: {  	_ = 	snop  }
0x3e: {  	[tilespmem:s10], [sflag:$0x1] =	stream.indirect_vreg.gather [hbm4b:s1+s3], $0x80, v3, vm0, $0xb8;
	[tilespmem:$0x10100] =	vst v63  }
0x3f: {  	_ = 	snop  }
0x40: {  	[tilespmem:s11], [sflag:$0x1] =	stream.indirect_vreg.gather [hbm4b:s4+s3], $0x80, v3, vm0, $0xb8;
	[tilespmem:$0x10100] =	vst v63  }
0x41: {  	_ = 	snop  }
0x42: {  	[tilespmem:s12], [sflag:$0x1] =	stream.indirect_vreg.gather [hbm4b:s5+s3], $0x80, v3, vm0, $0xb8;
	[tilespmem:$0x10100] =	vst v63  }
0x43: {  	_ = 	snop  }
0x44: {  	[tilespmem:s13], [sflag:$0x1] =	stream.indirect_vreg.gather [hbm4b:s6+s3], $0x80, v3, vm0, $0xb8;
	[tilespmem:$0x10100] =	vst v63  }
0x45: {  	v3 =	vld [tilespmem:$0x20];
	_ =	sdelay $0x4  }
0x46: {  	v50 =	vshll.u32 v3, $0x3  }
0x47: {  	v3 =	vand.u32 $0x7, v3;
	v4 =	vand.u32 $0xFFFFFFC0, v50  }
0x48: {  	v3 =	vor.u32 v3, v4  }
0x49: {  	v4 =	vperm.xlane v3, v0;
	_ =	sdelay $0x1  }
0x4a: {  	v4 =	vadd.s32 v1, v4;
	_ =	sdelay $0x4  }
0x4b: {  	[tilespmem:s25], [sflag:$0x2] =	stream.indirect_vreg.gather [hbm4b:s1+s3], $0x80, v4, vm0, $0xb8;
	[tilespmem:$0x10100] =	vst v63  }
0x4c: {  	s14 =	simm.s32 $0x8900;
	v3 =	vperm.xlane v3, v2  }
0x4d: {  	[tilespmem:s14], [sflag:$0x2] =	stream.indirect_vreg.gather [hbm4b:s4+s3], $0x80, v4, vm0, $0xb8;
	[tilespmem:$0x10100] =	vst v63  }
0x4e: {  	s16 =	simm.s32 $0x9100;
	v3 =	vadd.s32 v1, v3  }
0x4f: {  	[tilespmem:s16], [sflag:$0x2] =	stream.indirect_vreg.gather [hbm4b:s5+s3], $0x80, v4, vm0, $0xb8;
	[tilespmem:$0x10100] =	vst v63  }
0x50: {  	s21 =	simm.s32 $0x9900  }
0x51: {  	[tilespmem:s21], [sflag:$0x2] =	stream.indirect_vreg.gather [hbm4b:s6+s3], $0x80, v4, vm0, $0xb8;
	[tilespmem:$0x10100] =	vst v63  }
0x52: {  	s16 =	simm.s32 $0xA100  }
0x53: {  	[tilespmem:s16], [sflag:$0x2] =	stream.indirect_vreg.gather [hbm4b:s1+s3], $0x80, v3, vm0, $0xb8;
	[tilespmem:$0x10100] =	vst v63  }
0x54: {  	s14 =	simm.s32 $0xA900  }
0x55: {  	[tilespmem:s14], [sflag:$0x2] =	stream.indirect_vreg.gather [hbm4b:s4+s3], $0x80, v3, vm0, $0xb8;
	[tilespmem:$0x10100] =	vst v63  }
0x56: {  	s16 =	simm.s32 $0xB100  }
0x57: {  	[tilespmem:s16], [sflag:$0x2] =	stream.indirect_vreg.gather [hbm4b:s5+s3], $0x80, v3, vm0, $0xb8;
	[tilespmem:$0x10100] =	vst v63  }
0x58: {  	s14 =	simm.s32 $0xB900  }
0x59: {  	[tilespmem:s14], [sflag:$0x2] =	stream.indirect_vreg.gather [hbm4b:s6+s3], $0x80, v3, vm0, $0xb8;
	[tilespmem:$0x10100] =	vst v63  }
0x5a: {  	v3 =	vld [tilespmem:$0x30];
	_ =	sdelay $0x4  }
0x5b: {  	v51 =	vshll.u32 v3, $0x3  }
0x5c: {  	v3 =	vand.u32 $0x7, v3;
	v4 =	vand.u32 $0xFFFFFFC0, v51  }
0x5d: {  	v3 =	vor.u32 v3, v4  }
0x5e: {  	v4 =	vperm.xlane v3, v0;
	_ =	sdelay $0x1  }
0x5f: {  	v4 =	vadd.s32 v1, v4;
	_ =	sdelay $0x3  }
0x60: {  	s16 =	simm.s32 $0xC100  }
0x61: {  	[tilespmem:s16], [sflag:$0x2] =	stream.indirect_vreg.gather [hbm4b:s1+s3], $0x80, v4, vm0, $0xb8;
	[tilespmem:$0x10100] =	vst v63  }
0x62: {  	s21 =	simm.s32 $0xC900;
	v3 =	vperm.xlane v3, v2  }
0x63: {  	[tilespmem:s21], [sflag:$0x2] =	stream.indirect_vreg.gather [hbm4b:s4+s3], $0x80, v4, vm0, $0xb8;
	[tilespmem:$0x10100] =	vst v63  }
0x64: {  	v3 =	vadd.s32 v1, v3;
	s21 =	simm.s32 $0xD100  }
0x65: {  	[tilespmem:s21], [sflag:$0x2] =	stream.indirect_vreg.gather [hbm4b:s5+s3], $0x80, v4, vm0, $0xb8;
	[tilespmem:$0x10100] =	vst v63  }
0x66: {  	s21 =	simm.s32 $0xD900  }
0x67: {  	[tilespmem:s21], [sflag:$0x2] =	stream.indirect_vreg.gather [hbm4b:s6+s3], $0x80, v4, vm0, $0xb8;
	[tilespmem:$0x10100] =	vst v63  }
0x68: {  	s21 =	simm.s32 $0xE100  }
0x69: {  	[tilespmem:s21], [sflag:$0x2] =	stream.indirect_vreg.gather [hbm4b:s1+s3], $0x80, v3, vm0, $0xb8;
	[tilespmem:$0x10100] =	vst v63  }
0x6a: {  	s21 =	simm.s32 $0xE900  }
0x6b: {  	[tilespmem:s21], [sflag:$0x2] =	stream.indirect_vreg.gather [hbm4b:s4+s3], $0x80, v3, vm0, $0xb8;
	[tilespmem:$0x10100] =	vst v63  }
0x6c: {  	s21 =	simm.s32 $0xF100  }
0x6d: {  	[tilespmem:s21], [sflag:$0x2] =	stream.indirect_vreg.gather [hbm4b:s5+s3], $0x80, v3, vm0, $0xb8;
	[tilespmem:$0x10100] =	vst v63  }
0x6e: {  	s21 =	simm.s32 $0xF900  }
0x6f: {  	[tilespmem:s21], [sflag:$0x2] =	stream.indirect_vreg.gather [hbm4b:s6+s3], $0x80, v3, vm0, $0xb8;
	[tilespmem:$0x10100] =	vst v63  }
0x70: {  	_ =	swait.ge [sflag:s17], $0x8000  }
0x71: {  	[sflag:s17] =	ssyncset.done $0x0  }
0x72: {  	s21 =	rddreg [dreg:$0x5];
	[sflag:s17] =	ssyncadd.s32 $0xFFFF8000  }
0x73: {  	[hbm4b:s21+s3] =	stream.linear.scatter [tilespmem:s9], [sflag:$0x3], $0x8000, $0x38;
	[tilespmem:$0x10100] =	vst v63  }
0x74: {  	_ =	swait.ge [sflag:s18], $0x8000  }
0x75: {  	[sflag:s18] =	ssyncset.done $0x0  }
0x76: {  	[sflag:s18] =	ssyncadd.s32 $0xFFFF8000  }
0x77: {  	v3 =	vld [tilespmem:$0x40];
	_ =	sdelay $0x4  }
0x78: {  	v52 =	vshll.u32 v3, $0x3  }
0x79: {  	v3 =	vand.u32 $0x7, v3;
	v4 =	vand.u32 $0xFFFFFFC0, v52  }
0x7a: {  	v3 =	vor.u32 v3, v4  }
0x7b: {  	v4 =	vperm.xlane v3, v0;
	_ =	sdelay $0x1  }
0x7c: {  	v4 =	vadd.s32 v1, v4;
	_ =	sdelay $0x4  }
0x7d: {  	[tilespmem:s9], [sflag:$0x1] =	stream.indirect_vreg.gather [hbm4b:s1+s3], $0x80, v4, vm0, $0xb8;
	[tilespmem:$0x10100] =	vst v63  }
0x7e: {  	v3 =	vperm.xlane v3, v2  }
0x7f: {  	[tilespmem:s22], [sflag:$0x1] =	stream.indirect_vreg.gather [hbm4b:s4+s3], $0x80, v4, vm0, $0xb8;
	[tilespmem:$0x10100] =	vst v63  }
0x80: {  	v3 =	vadd.s32 v1, v3  }
0x81: {  	[tilespmem:s23], [sflag:$0x1] =	stream.indirect_vreg.gather [hbm4b:s5+s3], $0x80, v4, vm0, $0xb8;
	[tilespmem:$0x10100] =	vst v63  }
0x82: {  	_ = 	snop  }
0x83: {  	[tilespmem:s24], [sflag:$0x1] =	stream.indirect_vreg.gather [hbm4b:s6+s3], $0x80, v4, vm0, $0xb8;
	[tilespmem:$0x10100] =	vst v63  }
0x84: {  	_ = 	snop  }
0x85: {  	[tilespmem:s26], [sflag:$0x1] =	stream.indirect_vreg.gather [hbm4b:s1+s3], $0x80, v3, vm0, $0xb8;
	[tilespmem:$0x10100] =	vst v63  }
0x86: {  	_ = 	snop  }
0x87: {  	[tilespmem:s28], [sflag:$0x1] =	stream.indirect_vreg.gather [hbm4b:s4+s3], $0x80, v3, vm0, $0xb8;
	[tilespmem:$0x10100] =	vst v63  }
0x88: {  	_ = 	snop  }
0x89: {  	[tilespmem:s29], [sflag:$0x1] =	stream.indirect_vreg.gather [hbm4b:s5+s3], $0x80, v3, vm0, $0xb8;
	[tilespmem:$0x10100] =	vst v63  }
0x8a: {  	_ = 	snop  }
0x8b: {  	[tilespmem:s30], [sflag:$0x1] =	stream.indirect_vreg.gather [hbm4b:s6+s3], $0x80, v3, vm0, $0xb8;
	[tilespmem:$0x10100] =	vst v63  }
0x8c: {  	v3 =	vld [tilespmem:$0x50];
	_ =	sdelay $0x4  }
0x8d: {  	v53 =	vshll.u32 v3, $0x3  }
0x8e: {  	v3 =	vand.u32 $0x7, v3;
	v4 =	vand.u32 $0xFFFFFFC0, v53  }
0x8f: {  	v3 =	vor.u32 v3, v4  }
0x90: {  	v4 =	vperm.xlane v3, v0;
	_ =	sdelay $0x1  }
0x91: {  	v4 =	vadd.s32 v1, v4;
	_ =	sdelay $0x4  }
0x92: {  	[tilespmem:s31], [sflag:$0x1] =	stream.indirect_vreg.gather [hbm4b:s1+s3], $0x80, v4, vm0, $0xb8;
	[tilespmem:$0x10100] =	vst v63  }
0x93: {  	v3 =	vperm.xlane v3, v2  }
0x94: {  	[tilespmem:s2], [sflag:$0x1] =	stream.indirect_vreg.gather [hbm4b:s4+s3], $0x80, v4, vm0, $0xb8;
	[tilespmem:$0x10100] =	vst v63  }
0x95: {  	v3 =	vadd.s32 v1, v3  }
0x96: {  	[tilespmem:s15], [sflag:$0x1] =	stream.indirect_vreg.gather [hbm4b:s5+s3], $0x80, v4, vm0, $0xb8;
	[tilespmem:$0x10100] =	vst v63  }
0x97: {  	_ = 	snop  }
0x98: {  	[tilespmem:s8], [sflag:$0x1] =	stream.indirect_vreg.gather [hbm4b:s6+s3], $0x80, v4, vm0, $0xb8;
	[tilespmem:$0x10100] =	vst v63  }
0x99: {  	_ = 	snop  }
0x9a: {  	[tilespmem:s10], [sflag:$0x1] =	stream.indirect_vreg.gather [hbm4b:s1+s3], $0x80, v3, vm0, $0xb8;
	[tilespmem:$0x10100] =	vst v63  }
0x9b: {  	_ = 	snop  }
0x9c: {  	[tilespmem:s11], [sflag:$0x1] =	stream.indirect_vreg.gather [hbm4b:s4+s3], $0x80, v3, vm0, $0xb8;
	[tilespmem:$0x10100] =	vst v63  }
0x9d: {  	_ = 	snop  }
0x9e: {  	[tilespmem:s12], [sflag:$0x1] =	stream.indirect_vreg.gather [hbm4b:s5+s3], $0x80, v3, vm0, $0xb8;
	[tilespmem:$0x10100] =	vst v63  }
0x9f: {  	_ = 	snop  }
0xa0: {  	[tilespmem:s13], [sflag:$0x1] =	stream.indirect_vreg.gather [hbm4b:s6+s3], $0x80, v3, vm0, $0xb8;
	[tilespmem:$0x10100] =	vst v63  }
0xa1: {  	_ =	swait.ge [sflag:s19], $0x8000  }
0xa2: {  	[sflag:s19] =	ssyncset.done $0x0  }
0xa3: {  	s21 =	rddreg [dreg:$0x6];
	[sflag:s19] =	ssyncadd.s32 $0xFFFF8000  }
0xa4: {  	[hbm4b:s21+s3] =	stream.linear.scatter [tilespmem:s25], [sflag:$0x4], $0x8000, $0x38;
	[tilespmem:$0x10100] =	vst v63  }
0xa5: {  	_ =	swait.ge [sflag:s20], $0x8000  }
0xa6: {  	[sflag:s20] =	ssyncset.done $0x0  }
0xa7: {  	[sflag:s20] =	ssyncadd.s32 $0xFFFF8000  }
0xa8: {  	v3 =	vld [tilespmem:$0x60];
	_ =	sdelay $0x4  }
0xa9: {  	v54 =	vshll.u32 v3, $0x3  }
0xaa: {  	v3 =	vand.u32 $0x7, v3;
	v4 =	vand.u32 $0xFFFFFFC0, v54  }
0xab: {  	v3 =	vor.u32 v3, v4  }
0xac: {  	v4 =	vperm.xlane v3, v0;
	_ =	sdelay $0x1  }
0xad: {  	v4 =	vadd.s32 v1, v4;
	_ =	sdelay $0x4  }
0xae: {  	[tilespmem:s25], [sflag:$0x2] =	stream.indirect_vreg.gather [hbm4b:s1+s3], $0x80, v4, vm0, $0xb8;
	[tilespmem:$0x10100] =	vst v63  }
0xaf: {  	s0 =	simm.s32 $0x8900;
	v3 =	vperm.xlane v3, v2  }
0xb0: {  	[tilespmem:s0], [sflag:$0x2] =	stream.indirect_vreg.gather [hbm4b:s4+s3], $0x80, v4, vm0, $0xb8;
	[tilespmem:$0x10100] =	vst v63  }
0xb1: {  	v3 =	vadd.s32 v1, v3;
	s0 =	simm.s32 $0x9100  }
0xb2: {  	[tilespmem:s0], [sflag:$0x2] =	stream.indirect_vreg.gather [hbm4b:s5+s3], $0x80, v4, vm0, $0xb8;
	[tilespmem:$0x10100] =	vst v63  }
0xb3: {  	s21 =	simm.s32 $0x9900  }
0xb4: {  	[tilespmem:s21], [sflag:$0x2] =	stream.indirect_vreg.gather [hbm4b:s6+s3], $0x80, v4, vm0, $0xb8;
	[tilespmem:$0x10100] =	vst v63  }
0xb5: {  	s21 =	simm.s32 $0xA100  }
0xb6: {  	[tilespmem:s21], [sflag:$0x2] =	stream.indirect_vreg.gather [hbm4b:s1+s3], $0x80, v3, vm0, $0xb8;
	[tilespmem:$0x10100] =	vst v63  }
0xb7: {  	s21 =	simm.s32 $0xA900  }
0xb8: {  	[tilespmem:s21], [sflag:$0x2] =	stream.indirect_vreg.gather [hbm4b:s4+s3], $0x80, v3, vm0, $0xb8;
	[tilespmem:$0x10100] =	vst v63  }
0xb9: {  	s21 =	simm.s32 $0xB100  }
0xba: {  	[tilespmem:s21], [sflag:$0x2] =	stream.indirect_vreg.gather [hbm4b:s5+s3], $0x80, v3, vm0, $0xb8;
	[tilespmem:$0x10100] =	vst v63  }
0xbb: {  	s14 =	simm.s32 $0xB900  }
0xbc: {  	[tilespmem:s14], [sflag:$0x2] =	stream.indirect_vreg.gather [hbm4b:s6+s3], $0x80, v3, vm0, $0xb8;
	[tilespmem:$0x10100] =	vst v63  }
0xbd: {  	v3 =	vld [tilespmem:$0x70];
	_ =	sdelay $0x4  }
0xbe: {  	v55 =	vshll.u32 v3, $0x3  }
0xbf: {  	v3 =	vand.u32 $0x7, v3;
	v4 =	vand.u32 $0xFFFFFFC0, v55  }
0xc0: {  	v3 =	vor.u32 v3, v4  }
0xc1: {  	v4 =	vperm.xlane v3, v0;
	_ =	sdelay $0x1  }
0xc2: {  	v4 =	vadd.s32 v1, v4;
	_ =	sdelay $0x3  }
0xc3: {  	s16 =	simm.s32 $0xC100  }
0xc4: {  	[tilespmem:s16], [sflag:$0x2] =	stream.indirect_vreg.gather [hbm4b:s1+s3], $0x80, v4, vm0, $0xb8;
	[tilespmem:$0x10100] =	vst v63  }
0xc5: {  	s21 =	simm.s32 $0xC900;
	v3 =	vperm.xlane v3, v2  }
0xc6: {  	[tilespmem:s21], [sflag:$0x2] =	stream.indirect_vreg.gather [hbm4b:s4+s3], $0x80, v4, vm0, $0xb8;
	[tilespmem:$0x10100] =	vst v63  }
0xc7: {  	v3 =	vadd.s32 v1, v3;
	s16 =	simm.s32 $0xD100  }
0xc8: {  	[tilespmem:s16], [sflag:$0x2] =	stream.indirect_vreg.gather [hbm4b:s5+s3], $0x80, v4, vm0, $0xb8;
	[tilespmem:$0x10100] =	vst v63  }
0xc9: {  	s21 =	simm.s32 $0xD900  }
0xca: {  	[tilespmem:s21], [sflag:$0x2] =	stream.indirect_vreg.gather [hbm4b:s6+s3], $0x80, v4, vm0, $0xb8;
	[tilespmem:$0x10100] =	vst v63  }
0xcb: {  	s16 =	simm.s32 $0xE100  }
0xcc: {  	[tilespmem:s16], [sflag:$0x2] =	stream.indirect_vreg.gather [hbm4b:s1+s3], $0x80, v3, vm0, $0xb8;
	[tilespmem:$0x10100] =	vst v63  }
0xcd: {  	s21 =	simm.s32 $0xE900  }
0xce: {  	[tilespmem:s21], [sflag:$0x2] =	stream.indirect_vreg.gather [hbm4b:s4+s3], $0x80, v3, vm0, $0xb8;
	[tilespmem:$0x10100] =	vst v63  }
0xcf: {  	s16 =	simm.s32 $0xF100  }
0xd0: {  	[tilespmem:s16], [sflag:$0x2] =	stream.indirect_vreg.gather [hbm4b:s5+s3], $0x80, v3, vm0, $0xb8;
	[tilespmem:$0x10100] =	vst v63  }
0xd1: {  	s21 =	simm.s32 $0xF900  }
0xd2: {  	[tilespmem:s21], [sflag:$0x2] =	stream.indirect_vreg.gather [hbm4b:s6+s3], $0x80, v3, vm0, $0xb8;
	[tilespmem:$0x10100] =	vst v63  }
0xd3: {  	_ =	swait.ge [sflag:s17], $0x8000  }
0xd4: {  	[sflag:s17] =	ssyncset.done $0x0  }
0xd5: {  	s16 =	rddreg [dreg:$0x7];
	[sflag:s17] =	ssyncadd.s32 $0xFFFF8000  }
0xd6: {  	[hbm4b:s16+s3] =	stream.linear.scatter [tilespmem:s9], [sflag:$0x3], $0x8000, $0x38;
	[tilespmem:$0x10100] =	vst v63  }
0xd7: {  	_ =	swait.ge [sflag:s18], $0x8000  }
0xd8: {  	[sflag:s18] =	ssyncset.done $0x0  }
0xd9: {  	[sflag:s18] =	ssyncadd.s32 $0xFFFF8000  }
0xda: {  	v3 =	vld [tilespmem:$0x80];
	_ =	sdelay $0x4  }
0xdb: {  	v56 =	vshll.u32 v3, $0x3  }
0xdc: {  	v3 =	vand.u32 $0x7, v3;
	v4 =	vand.u32 $0xFFFFFFC0, v56  }
0xdd: {  	v3 =	vor.u32 v3, v4  }
0xde: {  	v4 =	vperm.xlane v3, v0;
	_ =	sdelay $0x1  }
0xdf: {  	v4 =	vadd.s32 v1, v4;
	_ =	sdelay $0x4  }
0xe0: {  	[tilespmem:s9], [sflag:$0x1] =	stream.indirect_vreg.gather [hbm4b:s1+s3], $0x80, v4, vm0, $0xb8;
	[tilespmem:$0x10100] =	vst v63  }
0xe1: {  	v3 =	vperm.xlane v3, v2  }
0xe2: {  	[tilespmem:s22], [sflag:$0x1] =	stream.indirect_vreg.gather [hbm4b:s4+s3], $0x80, v4, vm0, $0xb8;
	[tilespmem:$0x10100] =	vst v63  }
0xe3: {  	v3 =	vadd.s32 v1, v3  }
0xe4: {  	[tilespmem:s23], [sflag:$0x1] =	stream.indirect_vreg.gather [hbm4b:s5+s3], $0x80, v4, vm0, $0xb8;
	[tilespmem:$0x10100] =	vst v63  }
0xe5: {  	_ = 	snop  }
0xe6: {  	[tilespmem:s24], [sflag:$0x1] =	stream.indirect_vreg.gather [hbm4b:s6+s3], $0x80, v4, vm0, $0xb8;
	[tilespmem:$0x10100] =	vst v63  }
0xe7: {  	_ = 	snop  }
0xe8: {  	[tilespmem:s26], [sflag:$0x1] =	stream.indirect_vreg.gather [hbm4b:s1+s3], $0x80, v3, vm0, $0xb8;
	[tilespmem:$0x10100] =	vst v63  }
0xe9: {  	_ = 	snop  }
0xea: {  	[tilespmem:s28], [sflag:$0x1] =	stream.indirect_vreg.gather [hbm4b:s4+s3], $0x80, v3, vm0, $0xb8;
	[tilespmem:$0x10100] =	vst v63  }
0xeb: {  	_ = 	snop  }
0xec: {  	[tilespmem:s29], [sflag:$0x1] =	stream.indirect_vreg.gather [hbm4b:s5+s3], $0x80, v3, vm0, $0xb8;
	[tilespmem:$0x10100] =	vst v63  }
0xed: {  	_ = 	snop  }
0xee: {  	[tilespmem:s30], [sflag:$0x1] =	stream.indirect_vreg.gather [hbm4b:s6+s3], $0x80, v3, vm0, $0xb8;
	[tilespmem:$0x10100] =	vst v63  }
0xef: {  	v3 =	vld [tilespmem:$0x90];
	_ =	sdelay $0x4  }
0xf0: {  	v57 =	vshll.u32 v3, $0x3  }
0xf1: {  	v3 =	vand.u32 $0x7, v3;
	v4 =	vand.u32 $0xFFFFFFC0, v57  }
0xf2: {  	v3 =	vor.u32 v3, v4  }
0xf3: {  	v4 =	vperm.xlane v3, v0;
	_ =	sdelay $0x1  }
0xf4: {  	v4 =	vadd.s32 v1, v4;
	_ =	sdelay $0x4  }
0xf5: {  	[tilespmem:s31], [sflag:$0x1] =	stream.indirect_vreg.gather [hbm4b:s1+s3], $0x80, v4, vm0, $0xb8;
	[tilespmem:$0x10100] =	vst v63  }
0xf6: {  	v3 =	vperm.xlane v3, v2  }
0xf7: {  	[tilespmem:s2], [sflag:$0x1] =	stream.indirect_vreg.gather [hbm4b:s4+s3], $0x80, v4, vm0, $0xb8;
	[tilespmem:$0x10100] =	vst v63  }
0xf8: {  	v3 =	vadd.s32 v1, v3  }
0xf9: {  	[tilespmem:s15], [sflag:$0x1] =	stream.indirect_vreg.gather [hbm4b:s5+s3], $0x80, v4, vm0, $0xb8;
	[tilespmem:$0x10100] =	vst v63  }
0xfa: {  	_ = 	snop  }
0xfb: {  	[tilespmem:s8], [sflag:$0x1] =	stream.indirect_vreg.gather [hbm4b:s6+s3], $0x80, v4, vm0, $0xb8;
	[tilespmem:$0x10100] =	vst v63  }
0xfc: {  	_ = 	snop  }
0xfd: {  	[tilespmem:s10], [sflag:$0x1] =	stream.indirect_vreg.gather [hbm4b:s1+s3], $0x80, v3, vm0, $0xb8;
	[tilespmem:$0x10100] =	vst v63  }
0xfe: {  	_ = 	snop  }
0xff: {  	[tilespmem:s11], [sflag:$0x1] =	stream.indirect_vreg.gather [hbm4b:s4+s3], $0x80, v3, vm0, $0xb8;
	[tilespmem:$0x10100] =	vst v63  }
0x100: {  	_ = 	snop  }
0x101: {  	[tilespmem:s12], [sflag:$0x1] =	stream.indirect_vreg.gather [hbm4b:s5+s3], $0x80, v3, vm0, $0xb8;
	[tilespmem:$0x10100] =	vst v63  }
0x102: {  	_ = 	snop  }
0x103: {  	[tilespmem:s13], [sflag:$0x1] =	stream.indirect_vreg.gather [hbm4b:s6+s3], $0x80, v3, vm0, $0xb8;
	[tilespmem:$0x10100] =	vst v63  }
0x104: {  	_ =	swait.ge [sflag:s19], $0x8000  }
0x105: {  	[sflag:s19] =	ssyncset.done $0x0  }
0x106: {  	s14 =	rddreg [dreg:$0x8];
	[sflag:s19] =	ssyncadd.s32 $0xFFFF8000  }
0x107: {  	[hbm4b:s14+s3] =	stream.linear.scatter [tilespmem:s25], [sflag:$0x4], $0x8000, $0x38;
	[tilespmem:$0x10100] =	vst v63  }
0x108: {  	_ =	swait.ge [sflag:s20], $0x8000  }
0x109: {  	[sflag:s20] =	ssyncset.done $0x0  }
0x10a: {  	[sflag:s20] =	ssyncadd.s32 $0xFFFF8000  }
0x10b: {  	v3 =	vld [tilespmem:$0xA0];
	_ =	sdelay $0x4  }
0x10c: {  	v58 =	vshll.u32 v3, $0x3  }
0x10d: {  	v3 =	vand.u32 $0x7, v3;
	v4 =	vand.u32 $0xFFFFFFC0, v58  }
0x10e: {  	v3 =	vor.u32 v3, v4  }
0x10f: {  	v4 =	vperm.xlane v3, v0;
	_ =	sdelay $0x1  }
0x110: {  	v4 =	vadd.s32 v1, v4;
	_ =	sdelay $0x4  }
0x111: {  	[tilespmem:s25], [sflag:$0x2] =	stream.indirect_vreg.gather [hbm4b:s1+s3], $0x80, v4, vm0, $0xb8;
	[tilespmem:$0x10100] =	vst v63  }
0x112: {  	s16 =	simm.s32 $0x8900;
	v3 =	vperm.xlane v3, v2  }
0x113: {  	[tilespmem:s16], [sflag:$0x2] =	stream.indirect_vreg.gather [hbm4b:s4+s3], $0x80, v4, vm0, $0xb8;
	[tilespmem:$0x10100] =	vst v63  }
0x114: {  	v3 =	vadd.s32 v1, v3  }
0x115: {  	[tilespmem:s0], [sflag:$0x2] =	stream.indirect_vreg.gather [hbm4b:s5+s3], $0x80, v4, vm0, $0xb8;
	[tilespmem:$0x10100] =	vst v63  }
0x116: {  	s21 =	simm.s32 $0x9900  }
0x117: {  	[tilespmem:s21], [sflag:$0x2] =	stream.indirect_vreg.gather [hbm4b:s6+s3], $0x80, v4, vm0, $0xb8;
	[tilespmem:$0x10100] =	vst v63  }
0x118: {  	s16 =	simm.s32 $0xA100  }
0x119: {  	[tilespmem:s16], [sflag:$0x2] =	stream.indirect_vreg.gather [hbm4b:s1+s3], $0x80, v3, vm0, $0xb8;
	[tilespmem:$0x10100] =	vst v63  }
0x11a: {  	s21 =	simm.s32 $0xA900  }
0x11b: {  	[tilespmem:s21], [sflag:$0x2] =	stream.indirect_vreg.gather [hbm4b:s4+s3], $0x80, v3, vm0, $0xb8;
	[tilespmem:$0x10100] =	vst v63  }
0x11c: {  	s21 =	simm.s32 $0xB100  }
0x11d: {  	[tilespmem:s21], [sflag:$0x2] =	stream.indirect_vreg.gather [hbm4b:s5+s3], $0x80, v3, vm0, $0xb8;
	[tilespmem:$0x10100] =	vst v63  }
0x11e: {  	s21 =	simm.s32 $0xB900  }
0x11f: {  	[tilespmem:s21], [sflag:$0x2] =	stream.indirect_vreg.gather [hbm4b:s6+s3], $0x80, v3, vm0, $0xb8;
	[tilespmem:$0x10100] =	vst v63  }
0x120: {  	v3 =	vld [tilespmem:$0xB0];
	_ =	sdelay $0x4  }
0x121: {  	v59 =	vshll.u32 v3, $0x3  }
0x122: {  	v3 =	vand.u32 $0x7, v3;
	v4 =	vand.u32 $0xFFFFFFC0, v59  }
0x123: {  	v3 =	vor.u32 v3, v4  }
0x124: {  	v4 =	vperm.xlane v3, v0;
	_ =	sdelay $0x1  }
0x125: {  	v4 =	vadd.s32 v1, v4;
	_ =	sdelay $0x3  }
0x126: {  	s21 =	simm.s32 $0xC100  }
0x127: {  	[tilespmem:s21], [sflag:$0x2] =	stream.indirect_vreg.gather [hbm4b:s1+s3], $0x80, v4, vm0, $0xb8;
	[tilespmem:$0x10100] =	vst v63  }
0x128: {  	v3 =	vperm.xlane v3, v2;
	s21 =	simm.s32 $0xC900  }
0x129: {  	[tilespmem:s21], [sflag:$0x2] =	stream.indirect_vreg.gather [hbm4b:s4+s3], $0x80, v4, vm0, $0xb8;
	[tilespmem:$0x10100] =	vst v63  }
0x12a: {  	v3 =	vadd.s32 v1, v3;
	s21 =	simm.s32 $0xD100  }
0x12b: {  	[tilespmem:s21], [sflag:$0x2] =	stream.indirect_vreg.gather [hbm4b:s5+s3], $0x80, v4, vm0, $0xb8;
	[tilespmem:$0x10100] =	vst v63  }
0x12c: {  	s21 =	simm.s32 $0xD900  }
0x12d: {  	[tilespmem:s21], [sflag:$0x2] =	stream.indirect_vreg.gather [hbm4b:s6+s3], $0x80, v4, vm0, $0xb8;
	[tilespmem:$0x10100] =	vst v63  }
0x12e: {  	s21 =	simm.s32 $0xE100  }
0x12f: {  	[tilespmem:s21], [sflag:$0x2] =	stream.indirect_vreg.gather [hbm4b:s1+s3], $0x80, v3, vm0, $0xb8;
	[tilespmem:$0x10100] =	vst v63  }
0x130: {  	s21 =	simm.s32 $0xE900  }
0x131: {  	[tilespmem:s21], [sflag:$0x2] =	stream.indirect_vreg.gather [hbm4b:s4+s3], $0x80, v3, vm0, $0xb8;
	[tilespmem:$0x10100] =	vst v63  }
0x132: {  	s21 =	simm.s32 $0xF100  }
0x133: {  	[tilespmem:s21], [sflag:$0x2] =	stream.indirect_vreg.gather [hbm4b:s5+s3], $0x80, v3, vm0, $0xb8;
	[tilespmem:$0x10100] =	vst v63  }
0x134: {  	s21 =	simm.s32 $0xF900  }
0x135: {  	[tilespmem:s21], [sflag:$0x2] =	stream.indirect_vreg.gather [hbm4b:s6+s3], $0x80, v3, vm0, $0xb8;
	[tilespmem:$0x10100] =	vst v63  }
0x136: {  	_ =	swait.ge [sflag:s17], $0x8000  }
0x137: {  	[sflag:s17] =	ssyncset.done $0x0  }
0x138: {  	s21 =	rddreg [dreg:$0x9];
	[sflag:s17] =	ssyncadd.s32 $0xFFFF8000  }
0x139: {  	[hbm4b:s21+s3] =	stream.linear.scatter [tilespmem:s9], [sflag:$0x3], $0x8000, $0x38;
	[tilespmem:$0x10100] =	vst v63  }
0x13a: {  	_ =	swait.ge [sflag:s18], $0x8000  }
0x13b: {  	[sflag:s18] =	ssyncset.done $0x0  }
0x13c: {  	[sflag:s18] =	ssyncadd.s32 $0xFFFF8000  }
0x13d: {  	v3 =	vld [tilespmem:$0xC0];
	_ =	sdelay $0x4  }
0x13e: {  	v60 =	vshll.u32 v3, $0x3  }
0x13f: {  	v3 =	vand.u32 $0x7, v3;
	v4 =	vand.u32 $0xFFFFFFC0, v60  }
0x140: {  	v3 =	vor.u32 v3, v4  }
0x141: {  	v4 =	vperm.xlane v3, v0;
	_ =	sdelay $0x1  }
0x142: {  	v4 =	vadd.s32 v1, v4;
	_ =	sdelay $0x4  }
0x143: {  	[tilespmem:s9], [sflag:$0x1] =	stream.indirect_vreg.gather [hbm4b:s1+s3], $0x80, v4, vm0, $0xb8;
	[tilespmem:$0x10100] =	vst v63  }
0x144: {  	v3 =	vperm.xlane v3, v2  }
0x145: {  	[tilespmem:s22], [sflag:$0x1] =	stream.indirect_vreg.gather [hbm4b:s4+s3], $0x80, v4, vm0, $0xb8;
	[tilespmem:$0x10100] =	vst v63  }
0x146: {  	v3 =	vadd.s32 v1, v3  }
0x147: {  	[tilespmem:s23], [sflag:$0x1] =	stream.indirect_vreg.gather [hbm4b:s5+s3], $0x80, v4, vm0, $0xb8;
	[tilespmem:$0x10100] =	vst v63  }
0x148: {  	_ = 	snop  }
0x149: {  	[tilespmem:s24], [sflag:$0x1] =	stream.indirect_vreg.gather [hbm4b:s6+s3], $0x80, v4, vm0, $0xb8;
	[tilespmem:$0x10100] =	vst v63  }
0x14a: {  	_ = 	snop  }
0x14b: {  	[tilespmem:s26], [sflag:$0x1] =	stream.indirect_vreg.gather [hbm4b:s1+s3], $0x80, v3, vm0, $0xb8;
	[tilespmem:$0x10100] =	vst v63  }
0x14c: {  	_ = 	snop  }
0x14d: {  	[tilespmem:s28], [sflag:$0x1] =	stream.indirect_vreg.gather [hbm4b:s4+s3], $0x80, v3, vm0, $0xb8;
	[tilespmem:$0x10100] =	vst v63  }
0x14e: {  	_ = 	snop  }
0x14f: {  	[tilespmem:s29], [sflag:$0x1] =	stream.indirect_vreg.gather [hbm4b:s5+s3], $0x80, v3, vm0, $0xb8;
	[tilespmem:$0x10100] =	vst v63  }
0x150: {  	_ = 	snop  }
0x151: {  	[tilespmem:s30], [sflag:$0x1] =	stream.indirect_vreg.gather [hbm4b:s6+s3], $0x80, v3, vm0, $0xb8;
	[tilespmem:$0x10100] =	vst v63  }
0x152: {  	v3 =	vld [tilespmem:$0xD0];
	_ =	sdelay $0x4  }
0x153: {  	v61 =	vshll.u32 v3, $0x3  }
0x154: {  	v3 =	vand.u32 $0x7, v3;
	v4 =	vand.u32 $0xFFFFFFC0, v61  }
0x155: {  	v3 =	vor.u32 v3, v4  }
0x156: {  	v4 =	vperm.xlane v3, v0;
	_ =	sdelay $0x1  }
0x157: {  	v4 =	vadd.s32 v1, v4;
	_ =	sdelay $0x4  }
0x158: {  	[tilespmem:s31], [sflag:$0x1] =	stream.indirect_vreg.gather [hbm4b:s1+s3], $0x80, v4, vm0, $0xb8;
	[tilespmem:$0x10100] =	vst v63  }
0x159: {  	v3 =	vperm.xlane v3, v2  }
0x15a: {  	[tilespmem:s2], [sflag:$0x1] =	stream.indirect_vreg.gather [hbm4b:s4+s3], $0x80, v4, vm0, $0xb8;
	[tilespmem:$0x10100] =	vst v63  }
0x15b: {  	v3 =	vadd.s32 v1, v3  }
0x15c: {  	[tilespmem:s15], [sflag:$0x1] =	stream.indirect_vreg.gather [hbm4b:s5+s3], $0x80, v4, vm0, $0xb8;
	[tilespmem:$0x10100] =	vst v63  }
0x15d: {  	_ = 	snop  }
0x15e: {  	[tilespmem:s8], [sflag:$0x1] =	stream.indirect_vreg.gather [hbm4b:s6+s3], $0x80, v4, vm0, $0xb8;
	[tilespmem:$0x10100] =	vst v63  }
0x15f: {  	_ = 	snop  }
0x160: {  	[tilespmem:s10], [sflag:$0x1] =	stream.indirect_vreg.gather [hbm4b:s1+s3], $0x80, v3, vm0, $0xb8;
	[tilespmem:$0x10100] =	vst v63  }
0x161: {  	_ = 	snop  }
0x162: {  	[tilespmem:s11], [sflag:$0x1] =	stream.indirect_vreg.gather [hbm4b:s4+s3], $0x80, v3, vm0, $0xb8;
	[tilespmem:$0x10100] =	vst v63  }
0x163: {  	_ = 	snop  }
0x164: {  	[tilespmem:s12], [sflag:$0x1] =	stream.indirect_vreg.gather [hbm4b:s5+s3], $0x80, v3, vm0, $0xb8;
	[tilespmem:$0x10100] =	vst v63  }
0x165: {  	_ = 	snop  }
0x166: {  	[tilespmem:s13], [sflag:$0x1] =	stream.indirect_vreg.gather [hbm4b:s6+s3], $0x80, v3, vm0, $0xb8;
	[tilespmem:$0x10100] =	vst v63  }
0x167: {  	_ =	swait.ge [sflag:s19], $0x8000  }
0x168: {  	[sflag:s19] =	ssyncset.done $0x0  }
0x169: {  	s2 =	rddreg [dreg:$0xa];
	[sflag:s19] =	ssyncadd.s32 $0xFFFF8000  }
0x16a: {  	[hbm4b:s2+s3] =	stream.linear.scatter [tilespmem:s25], [sflag:$0x4], $0x8000, $0x38;
	[tilespmem:$0x10100] =	vst v63  }
0x16b: {  	_ =	swait.ge [sflag:s20], $0x8000  }
0x16c: {  	[sflag:s20] =	ssyncset.done $0x0  }
0x16d: {  	[sflag:s20] =	ssyncadd.s32 $0xFFFF8000  }
0x16e: {  	v3 =	vld [tilespmem:$0xE0];
	_ =	sdelay $0x4  }
0x16f: {  	v62 =	vshll.u32 v3, $0x3  }
0x170: {  	v3 =	vand.u32 $0x7, v3;
	v4 =	vand.u32 $0xFFFFFFC0, v62  }
0x171: {  	v3 =	vor.u32 v3, v4  }
0x172: {  	v4 =	vperm.xlane v3, v0;
	_ =	sdelay $0x1  }
0x173: {  	v4 =	vadd.s32 v1, v4;
	_ =	sdelay $0x4  }
0x174: {  	[tilespmem:s25], [sflag:$0x2] =	stream.indirect_vreg.gather [hbm4b:s1+s3], $0x80, v4, vm0, $0xb8;
	[tilespmem:$0x10100] =	vst v63  }
0x175: {  	s21 =	simm.s32 $0x8900;
	v3 =	vperm.xlane v3, v2  }
0x176: {  	[tilespmem:s21], [sflag:$0x2] =	stream.indirect_vreg.gather [hbm4b:s4+s3], $0x80, v4, vm0, $0xb8;
	[tilespmem:$0x10100] =	vst v63  }
0x177: {  	s0 =	simm.s32 $0x9100;
	v3 =	vadd.s32 v1, v3  }
0x178: {  	[tilespmem:s0], [sflag:$0x2] =	stream.indirect_vreg.gather [hbm4b:s5+s3], $0x80, v4, vm0, $0xb8;
	[tilespmem:$0x10100] =	vst v63  }
0x179: {  	s2 =	simm.s32 $0x9900  }
0x17a: {  	[tilespmem:s2], [sflag:$0x2] =	stream.indirect_vreg.gather [hbm4b:s6+s3], $0x80, v4, vm0, $0xb8;
	[tilespmem:$0x10100] =	vst v63  }
0x17b: {  	s14 =	simm.s32 $0xA100  }
0x17c: {  	[tilespmem:s14], [sflag:$0x2] =	stream.indirect_vreg.gather [hbm4b:s1+s3], $0x80, v3, vm0, $0xb8;
	[tilespmem:$0x10100] =	vst v63  }
0x17d: {  	s16 =	simm.s32 $0xA900  }
0x17e: {  	[tilespmem:s16], [sflag:$0x2] =	stream.indirect_vreg.gather [hbm4b:s4+s3], $0x80, v3, vm0, $0xb8;
	[tilespmem:$0x10100] =	vst v63  }
0x17f: {  	s21 =	simm.s32 $0xB100  }
0x180: {  	[tilespmem:s21], [sflag:$0x2] =	stream.indirect_vreg.gather [hbm4b:s5+s3], $0x80, v3, vm0, $0xb8;
	[tilespmem:$0x10100] =	vst v63  }
0x181: {  	s2 =	simm.s32 $0xB900  }
0x182: {  	[tilespmem:s2], [sflag:$0x2] =	stream.indirect_vreg.gather [hbm4b:s6+s3], $0x80, v3, vm0, $0xb8;
	[tilespmem:$0x10100] =	vst v63  }
0x183: {  	v3 =	vld [tilespmem:$0xF0];
	_ =	sdelay $0x4  }
0x184: {  	v63 =	vshll.u32 v3, $0x3  }
0x185: {  	v3 =	vand.u32 $0x7, v3;
	v4 =	vand.u32 $0xFFFFFFC0, v63  }
0x186: {  	v3 =	vor.u32 v3, v4  }
0x187: {  	v4 =	vperm.xlane v3, v0;
	_ =	sdelay $0x1  }
0x188: {  	v4 =	vadd.s32 v1, v4;
	_ =	sdelay $0x3  }
0x189: {  	s14 =	simm.s32 $0xC100  }
0x18a: {  	[tilespmem:s14], [sflag:$0x2] =	stream.indirect_vreg.gather [hbm4b:s1+s3], $0x80, v4, vm0, $0xb8;
	[tilespmem:$0x10100] =	vst v63  }
0x18b: {  	s16 =	simm.s32 $0xC900;
	v3 =	vperm.xlane v3, v2  }
0x18c: {  	[tilespmem:s16], [sflag:$0x2] =	stream.indirect_vreg.gather [hbm4b:s4+s3], $0x80, v4, vm0, $0xb8;
	[tilespmem:$0x10100] =	vst v63  }
0x18d: {  	s21 =	simm.s32 $0xD100;
	v3 =	vadd.s32 v1, v3  }
0x18e: {  	[tilespmem:s21], [sflag:$0x2] =	stream.indirect_vreg.gather [hbm4b:s5+s3], $0x80, v4, vm0, $0xb8;
	[tilespmem:$0x10100] =	vst v63  }
0x18f: {  	s2 =	simm.s32 $0xD900  }
0x190: {  	[tilespmem:s2], [sflag:$0x2] =	stream.indirect_vreg.gather [hbm4b:s6+s3], $0x80, v4, vm0, $0xb8;
	[tilespmem:$0x10100] =	vst v63  }
0x191: {  	s14 =	simm.s32 $0xE100  }
0x192: {  	[tilespmem:s14], [sflag:$0x2] =	stream.indirect_vreg.gather [hbm4b:s1+s3], $0x80, v3, vm0, $0xb8;
	[tilespmem:$0x10100] =	vst v63  }
0x193: {  	s16 =	simm.s32 $0xE900  }
0x194: {  	[tilespmem:s16], [sflag:$0x2] =	stream.indirect_vreg.gather [hbm4b:s4+s3], $0x80, v3, vm0, $0xb8;
	[tilespmem:$0x10100] =	vst v63  }
0x195: {  	s21 =	simm.s32 $0xF100  }
0x196: {  	[tilespmem:s21], [sflag:$0x2] =	stream.indirect_vreg.gather [hbm4b:s5+s3], $0x80, v3, vm0, $0xb8;
	[tilespmem:$0x10100] =	vst v63  }
0x197: {  	s2 =	simm.s32 $0xF900  }
0x198: {  	[tilespmem:s2], [sflag:$0x2] =	stream.indirect_vreg.gather [hbm4b:s6+s3], $0x80, v3, vm0, $0xb8;
	[tilespmem:$0x10100] =	vst v63  }
0x199: {  	_ =	swait.ge [sflag:s17], $0x8000  }
0x19a: {  	[sflag:s17] =	ssyncset.done $0x0  }
0x19b: {  	s14 =	rddreg [dreg:$0xb];
	[sflag:s17] =	ssyncadd.s32 $0xFFFF8000  }
0x19c: {  	[hbm4b:s14+s3] =	stream.linear.scatter [tilespmem:s9], [sflag:$0x3], $0x8000, $0x38;
	[tilespmem:$0x10100] =	vst v63  }
0x19d: {  	_ =	swait.ge [sflag:s19], $0x8000  }
0x19e: {  	[sflag:s19] =	ssyncset.done $0x0  }
0x19f: {  	s16 =	rddreg [dreg:$0xc];
	[sflag:s19] =	ssyncadd.s32 $0xFFFF8000  }
0x1a0: {  	[hbm4b:s16+s3] =	stream.linear.scatter [tilespmem:s25], [sflag:$0x4], $0x8000, $0x38;
	[tilespmem:$0x10100] =	vst v63  }
0x1a1: {  	p0 =	sne.s32 s7, $0x1;
	_ =	swait.ge [sflag:s20], $0x8000  }
.Ltmp0:
0x1a2: {  	[sflag:s20] =	ssyncset.done $0x0;
	(pc) =	sbr.rel @p0 .LBB2_1-.Ltmp0, $4  }
0x1a3: {  	[sflag:s20] =	ssyncadd.s32 $0xFFFF8000  }
0x1a4: {  	_ =	swait.ge [sflag:s18], $0x8000  }
0x1a5: {  	[sflag:s18] =	ssyncset.done $0x0  }
0x1a6: {  	s7 =	sadd.s32 $0xFFFFFFFF, s7;
	[sflag:s18] =	ssyncadd.s32 $0xFFFF8000  }
0x1a7: {  	_ =	sfence.sel $0x180000  }
0x1a8: {  	[bflag:$0x0] =	sbarrier.arrive $0xFFFF  }
0x1a9: {  	_ =	strace $0x90000047  }
0x1aa: {  	s0 =	stileid.u32;
	[bflag:$0x2] =	sbarrier.arrive $0xFFFF  }
0x1ab: {  	p0 =	sne.s32 s0, $0x0;
	s0 =	rddreg [dreg:$0x3]  }
0x1ac: {  	s0 =	sadd.s32 @!p0 $0x100000, s0  }
0x1ad: {  	[sflag:s0] =	ssyncadd.tile.s32 @!p0 $0x1;
	_ =	shalt  }
.Lfunc_end2:
_tile_overlayer_lowered:
.L_overlay_start_2:
0x1ae: {  	(tag) =	ssettag $0x2  }
0x1af: {  	s0 =	rddreg [dreg:$0x0];
	s2 =	stileid.u32  }
0x1b0: {  	s1 =	rddreg [dreg:$0x1];
	p0 =	sne.s32 s2, $0x0  }
0x1b1: {  	s3 =	rddreg [dreg:$0x2];
	[bflag:$0x3] =	sbarrier.arrive $0xFFFF;
	s2 =	simm.s32 @!p0 $0x1C05  }
0x1b2: {  	[timem:s3], [sflag:s2] =	dma.local @!p0 [hbm:s0], s1  }
0x1b3: {  	s0 =	simm.s32 @!p0 $0x5  }
0x1b4: {  	_ =	swait.ge @!p0 [sflag:s0], s1  }
0x1b5: {  	s1 =	ssub.s32 @!p0 $0x0, s1;
	[sflag:s0] =	ssyncset.done @!p0 $0x0  }
0x1b6: {  	[sflag:s0] =	ssyncadd.s32 @!p0 s1  }
0x1b7: {  	[bflag:$0x3] =	sbarrier.arrive $0xFFFF  }
0x1b8: {  	_ =	shalt  }

// kernel: kernel.9.cloned.1.call-start
scs
__scs_entry_jumppad:
0x0: {  	(pc) =	sbr.rel $0x88, $3  }
0x1: {  	(tag) =	ssettag $0x0;
	lr =	simm.s32 $0x1  }
0x2: {  	[smem:$0x3F9C] =	sst lr;
	_ =	strace $0xD0000000  }
0x3: {  	_ = 	snop  }
0x4: {  	_ = 	snop  }
0x5: {  	_ = 	snop  }
0x6: {  	_ = 	snop  }
0x7: {  	_ = 	snop  }
__scs_overlays_trampoline_lowered:
0x8: {  	[smem:$0x3FAB] =	sst s0  }
0x9: {  	[smem:$0x3FAC] =	sst s1  }
0xa: {  	[smem:$0x3FAD] =	sst s2  }
0xb: {  	[smem:$0x3FAE] =	sst s3  }
0xc: {  	[smem:$0x3FAF] =	sst s4  }
0xd: {  	[smem:$0x3FB0] =	sst s5  }
0xe: {  	[smem:$0x3FB1] =	sst s6  }
0xf: {  	[smem:$0x3FB2] =	sst s7  }
0x10: {  	[smem:$0x3FB3] =	sst s8  }
0x11: {  	[smem:$0x3FB4] =	sst s9;
	s0 =	simm.s32 @!p0 $0x0  }
0x12: {  	s1 =	sld [smem:$0x3F9A];
	s0 =	simm.s32 @p0 $0x1  }
0x13: {  	[smem:$0x3FB5] =	sst s0;
	s0 =	simm.s32 @!p1 $0x0  }
0x14: {  	s2 =	sld [smem:$0x3F99];
	s0 =	simm.s32 @p1 $0x1  }
0x15: {  	[smem:$0x3FB6] =	sst s0;
	s0 =	simm.s32 @!p2 $0x0  }
0x16: {  	s3 =	sld [smem:$0x3FDB];
	s0 =	simm.s32 @p2 $0x1  }
0x17: {  	s4 =	simm.s32 $0x1BF5;
	[smem:$0x3FB8] =	sst s0  }
0x18: {  	s0 =	sld [smem:$0x3F9B];
	_ =	swait.ge [sflag:s4], $0x0  }
0x19: {  	s7 =	sld [smem:$0x3F9C]  }
0x1a: {  	s8 =	sadd.s32 $0xFFFFE003, lr  }
0x1b: {  	s9 =	sadd.s32 $0xFFFFFEF7, lr;
	s5 =	simm.s32 $0xFFFFFFFF;
	p2 =	slt.u32 s8, $0xFFFFF086  }
0x1c: {  	p1 =	slt.u32 s9, $0xF7A;
	s5 =	simm.s32 @!p2 $0x0  }
0x1d: {  	s5 =	simm.s32 @p1 $0x1;
	p0 =	seq.s32 s7, s2  }
0x1e: {  	s7 =	smul.u32 @!p0 $0xF7A, s2;
	p2 =	seq.s32 @!p0 s5, $0x0  }
0x1f: {  	s9 =	smul.u32 $0xF7A, s1;
	s8 =	simm.s32 @!p0 $0x1BF5;
	p2 =	por !p2, p0  }
0x20: {  	[sflag:s8] =	ssyncset.s32 @!p0 $0xFFFFF086;
	s6 =	sadd.s32 @!p0 s3, s7;
	s7 =	simm.s32 @!p0 $0x108  }
0x21: {  	s3 =	sadd.s32 s3, s9;
	s6 =	sadd.s32 @!p0 $0x88, s6;
	s7 =	simm.s32 @p2 $0x1082  }
0x22: {  	[simem:s7], [sflag:s8] =	dma.local @!p0 [hbm:s6], $0xF7A  }
0x23: {  	s9 =	sor.u32 $0xD0000000, s2;
	s6 =	simm.s32 $0x108;
	_ =	swait.ge @!p0 [sflag:s8], $0x0  }
0x24: {  	s3 =	sadd.s32 $0x88, s3;
	s6 =	simm.s32 @!p1 $0x1082;
	[sflag:s4] =	ssyncset.s32 $0xFFFFF086  }
0x25: {  	[simem:s6], [sflag:s4] =	dma.local [hbm:s3], $0xF7A  }
0x26: {  	[smem:$0x3F9C] =	sst s1;
	(tag) =	ssettag s2;
	_ =	strace s9  }
0x27: {  	s1 =	sld [smem:$0x3FAC]  }
0x28: {  	s2 =	sld [smem:$0x3FAD]  }
0x29: {  	s4 =	sld [smem:$0x3FAF]  }
0x2a: {  	p0 =	seq.s32 s5, $0x0;
	s5 =	sld [smem:$0x3FB0]  }
0x2b: {  	s6 =	sld [smem:$0x3FB1]  }
0x2c: {  	s7 =	sld [smem:$0x3FB2]  }
0x2d: {  	s3 =	simm.s32 $0x108;
	s8 =	sld [smem:$0x3FB3]  }
0x2e: {  	s3 =	simm.s32 @!p0 $0x1082;
	s9 =	sld [smem:$0x3FB4]  }
0x2f: {  	lr =	sadd.s32 s0, s3;
	s0 =	sld [smem:$0x3FAB]  }
0x30: {  	s3 =	sld [smem:$0x3FAE]  }
0x31: {  	[smem:$0x3FB7] =	sst s10  }
0x32: {  	s10 =	sld [smem:$0x3FB5];
	_ =	sdelay $0x3  }
0x33: {  	p0 =	seq.s32 s10, $0x1;
	s10 =	sld [smem:$0x3FB7];
	_ =	sdelay $0x3  }
0x34: {  	[smem:$0x3FB7] =	sst s10  }
0x35: {  	s10 =	sld [smem:$0x3FB6];
	_ =	sdelay $0x3  }
0x36: {  	p1 =	seq.s32 s10, $0x1;
	s10 =	sld [smem:$0x3FB7];
	_ =	sdelay $0x3  }
0x37: {  	[smem:$0x3FB7] =	sst s10  }
0x38: {  	s10 =	sld [smem:$0x3FB8]  }
0x39: {  	_ = 	snop;
	(pc) =	sbr.ind lr, $3  }
0x3a: {  	_ = 	snop  }
0x3b: {  	_ = 	snop  }
0x3c: {  	p2 =	seq.s32 s10, $0x1;
	s10 =	sld [smem:$0x3FB7]  }
0x3d: {  	_ =	shalt  }
0x3e: {  	_ =	shalt  }
0x3f: {  	_ =	shalt  }
0x40: {  	_ =	shalt  }
0x41: {  	_ =	shalt  }
0x42: {  	_ =	shalt  }
0x43: {  	_ =	shalt  }
0x44: {  	_ =	shalt  }
0x45: {  	_ =	shalt  }
0x46: {  	_ =	shalt  }
0x47: {  	_ =	shalt  }
0x48: {  	_ =	shalt  }
0x49: {  	_ =	shalt  }
0x4a: {  	_ =	shalt  }
0x4b: {  	_ =	shalt  }
0x4c: {  	_ =	shalt  }
0x4d: {  	_ =	shalt  }
0x4e: {  	_ =	shalt  }
0x4f: {  	_ =	shalt  }
0x50: {  	_ =	shalt  }
0x51: {  	_ =	shalt  }
0x52: {  	_ =	shalt  }
0x53: {  	_ =	shalt  }
0x54: {  	_ =	shalt  }
0x55: {  	_ =	shalt  }
0x56: {  	_ =	shalt  }
0x57: {  	_ =	shalt  }
0x58: {  	_ =	shalt  }
0x59: {  	_ =	shalt  }
0x5a: {  	_ =	shalt  }
0x5b: {  	_ =	shalt  }
0x5c: {  	_ =	shalt  }
0x5d: {  	_ =	shalt  }
0x5e: {  	_ =	shalt  }
0x5f: {  	_ =	shalt  }
0x60: {  	_ =	shalt  }
0x61: {  	_ =	shalt  }
0x62: {  	_ =	shalt  }
0x63: {  	_ =	shalt  }
0x64: {  	_ =	shalt  }
0x65: {  	_ =	shalt  }
0x66: {  	_ =	shalt  }
0x67: {  	_ =	shalt  }
0x68: {  	_ =	shalt  }
0x69: {  	_ =	shalt  }
0x6a: {  	_ =	shalt  }
0x6b: {  	_ =	shalt  }
0x6c: {  	_ =	shalt  }
0x6d: {  	_ =	shalt  }
0x6e: {  	_ =	shalt  }
0x6f: {  	_ =	shalt  }
0x70: {  	_ =	shalt  }
0x71: {  	_ =	shalt  }
0x72: {  	_ =	shalt  }
0x73: {  	_ =	shalt  }
0x74: {  	_ =	shalt  }
0x75: {  	_ =	shalt  }
0x76: {  	_ =	shalt  }
0x77: {  	_ =	shalt  }
0x78: {  	_ =	shalt  }
0x79: {  	_ =	shalt  }
0x7a: {  	_ =	shalt  }
0x7b: {  	_ =	shalt  }
0x7c: {  	_ =	shalt  }
0x7d: {  	_ =	shalt  }
0x7e: {  	_ =	shalt  }
0x7f: {  	_ =	shalt  }
0x80: {  	_ =	shalt  }
0x81: {  	_ =	shalt  }
0x82: {  	_ =	shalt  }
0x83: {  	_ =	shalt  }
0x84: {  	_ =	shalt  }
0x85: {  	_ =	shalt  }
0x86: {  	_ =	shalt  }
0x87: {  	_ =	shalt  }
.Lfunc_end0:
.L_simem_size_0:
called_computation.1_lowered:
.L_overlay_start_0:
0x88: {  	s2 =	sld [smem:$0x3FD9]  }
0x89: {  	s3 =	sld [smem:$0x3FFE];
	_ =	sdelay $0x1  }
0x8a: {  	s1 =	srdreg.scid  }
0x8b: {  	s0 =	sand.u32 $0x1, s1  }
0x8c: {  	s17 =	sshll.u32 s0, $0xA;
	s2 =	sadd.s32 s3, s2  }
0x8d: {  	s2 =	sadd.s32 s2, s17  }
0x8e: {  	[smem:$0x3FC3] =	sst s2  }
0x8f: {  	_ = 	snop  }
0x90: {  	s2 =	sld [smem:$0x3FD0];
	(tm) =	ssettm $0x1  }
0x91: {  	s18 =	sld [smem:$0x3FFB];
	_ =	sdelay $0x3  }
0x92: {  	_ =	strace s18  }
0x93: {  	s3 =	sld [smem:$0x3FFC];
	_ =	sdelay $0x3  }
0x94: {  	_ =	strace s3  }
0x95: {  	s3 =	sld [smem:$0x3FFD];
	_ =	sdelay $0x3  }
0x96: {  	_ =	strace s3  }
0x97: {  	_ =	strace $0x8FFFFFFF  }
0x98: {  	s19 =	sld [smem:$0x3FDB];
	_ =	sdelay $0x1  }
0x99: {  	s4 =	simm.s32 $_scs_section_size  }
0x9a: {  	s5 =	simm.s32 $_size__tile_overlayer_lowered;
	s6 =	simm.s32 $_tile_overlayer_lowered  }
0x9b: {  	s22 =	simm.s32 $0x1BFF;
	s21 =	sshll.u32 s6, $0x1;
	s3 =	sadd.s32 s4, s19  }
0x9c: {  	s7 =	simm.s32 $0x0;
	s20 =	sshll.u32 s5, $0x1;
	s5 =	sadd.s32 s21, s3  }
0x9d: {  	[timem:s7], [sflag:s22] =	dma.local [hbm:s5], s20  }
0x9e: {  	_ =	swait.ge [sflag:s22], s20  }
0x9f: {  	s4 =	ssub.s32 $0x0, s20;
	[sflag:s22] =	ssyncset.done $0x0  }
0xa0: {  	[sflag:s22] =	ssyncadd.s32 s4;
	_ =	sdelay $0x1  }
0xa1: {  	s23 =	simm.s32 $0x1B8B  }
0xa2: {  	_ =	swait.ge [sflag:s23], $0x1  }
0xa3: {  	[sflag:s23] =	ssyncset.done $0x0  }
0xa4: {  	s25 =	simm.s32 $0x1B8E;
	s24 =	sld [smem:$0x3FFE];
	[sflag:s23] =	ssyncadd.s32 $0xFFFFFFFF  }
0xa5: {  	s26 =	simm.s32 $execute0_lowered;
	[smem:$0x3FD2] =	sst s25  }
0xa6: {  	s5 =	sshll.u32 s26, $0x1;
	_ =	strace $0x80000049;
	[dreg:$0x1] =	wrdreg $0xFFFFFFFF  }
0xa7: {  	s28 =	simm.s32 $_size_execute0_lowered;
	s3 =	sadd.s32 s3, s5;
	[dreg:$0x0] =	wrdreg $0x0  }
0xa8: {  	s5 =	sshll.u32 s28, $0x1;
	[dreg:$0x2] =	wrdreg s3  }
0xa9: {  	[dreg:$0x3] =	wrdreg s5  }
0xaa: {  	[dreg:$0x4] =	wrdreg $0xC0  }
0xab: {  	_ =	task [dreg:s7], $0x5FFFF  }
0xac: {  	[dreg:$0x1] =	wrdreg $0xFFFFFFFF  }
0xad: {  	[dreg:$0x0] =	wrdreg $0x60  }
0xae: {  	[dreg:$0x2] =	wrdreg s24  }
0xaf: {  	[dreg:$0x3] =	wrdreg s2  }
0xb0: {  	[dreg:$0x4] =	wrdreg $0x9  }
0xb1: {  	_ =	task.clear_ibuf [dreg:s7], $0x5FFFF;
	_ =	strace $0x90000049  }
0xb2: {  	s29 =	simm.s32 $0x9;
	_ =	strace $0x8000004B  }
0xb3: {  	_ =	swait.ge [sflag:s29], $0x1  }
0xb4: {  	[sflag:s29] =	ssyncadd.s32 $0xFFFFFFFF  }
0xb5: {  	_ =	strace $0x9000004B  }
0xb6: {  	_ =	sfence  }
0xb7: {  	s30 =	sld [smem:$0x0];
	_ =	sdelay $0x2  }
0xb8: {  	s31 =	sshll.u32 s1, $0xD;
	s1 =	sshrl.u32 s1, $0x2  }
0xb9: {  	s3 =	sand.u32 $0x4000, s31;
	s1 =	sadd.s32 s1, s30  }
0xba: {  	s0 =	sor.u32 s3, s0;
	s1 =	sshll.u32 s1, $0x11  }
0xbb: {  	s0 =	sor.u32 s1, s0  }
0xbc: {  	s0 =	sadd.s32 $0x8F2B, s0  }
0xbd: {  	[sflag:s0] =	ssyncadd.remote.s32 $0x1  }
0xbe: {  	_ =	sfence.sel $0xFFFF  }
0xbf: {  	[dreg:$0x0] =	wrdreg $0xFFFFFFFF;
	(pc) =	sbr.abs _section_cstart, $3  }
0xc0: {  	[dreg:$0x1] =	wrdreg $0xFFFFFFFF  }
0xc1: {  	_ =	task.clear_ibuf [dreg:s7], $0x2FFFF;
	_ =	strace $0x9FFFFFFF  }
0xc2: {  	(tm) =	ssettm $0x7FFFFFFF  }
0xc3: {  	_ =	shalt  }
tec
execute0_lowered:
.L_overlay_start_1:
0x0: {  	(tag) =	ssettag $0x1  }
0x1: {  	s0 =	rddreg [dreg:$0x0]  }
0x2: {  	s2 =	rddreg [dreg:$0x1];
	s1 =	simm.s32 $0x0  }
0x3: {  	s4 =	srdreg.scid;
	s6 =	stileid.u32;
	s14 =	simm.s32 $0x3  }
0x4: {  	s16 =	simm.s32 $0x100;
	s15 =	simm.s32 $0xA900;
	s17 =	simm.s32 $0xB900  }
0x5: {  	s12 =	simm.s32 $0xC100;
	s18 =	simm.s32 $0xC900;
	s13 =	simm.s32 $0xD100  }
0x6: {  	s19 =	simm.s32 $0xD900;
	s20 =	simm.s32 $0xE100;
	s21 =	simm.s32 $0xE900  }
0x7: {  	s22 =	simm.s32 $0xF100;
	s23 =	simm.s32 $0xF900;
	s24 =	simm.s32 $0x1  }
0x8: {  	s25 =	simm.s32 $0x2;
	[smem:$0x7FF] =	sst s1;
	s3 =	sadd.s32 $0x100600, s0  }
0x9: {  	s4 =	sand.u32 $0x1, s4;
	s6 =	sshll.u32 s6, $0x7;
	s9 =	sadd.s32 $0x100200, s0  }
0xa: {  	s10 =	sadd.s32 $0x100400, s0;
	s5 =	ssub.s32 $0x2, s4;
	s4 =	sshll.u32 s4, $0x6  }
0xb: {  	s8 =	sadd.s32 $0x100900, s0;
	s7 =	sshrl.u32 s5, $0x1;
	s4 =	sor.u32 s4, s6  }
0xc: {  	_ =	strace $0x8000004A;
	s5 =	ssub.s32 s5, s7;
	s6 =	sshrl.u32 s4, $0x3  }
0xd: {  	s7 =	sadd.s32 $0x100800, s0;
	s11 =	sshll.u32 s4, $0x7;
	s26 =	sadd.s32 s9, s6  }
0xe: {  	s4 =	sor.u32 $0x20, s4;
	s6 =	sadd.s32 s10, s6;
	[dreg:$0x3] =	wrdreg s26  }
0xf: {  	s28 =	sadd.s32 s2, s11;
	s29 =	sshrl.u32 s4, $0x3;
	[dreg:$0x4] =	wrdreg s6  }
0x10: {  	s30 =	sshll.u32 s4, $0x7;
	s31 =	smax.u32 s5, $0x1;
	[dreg:$0x5] =	wrdreg s28  }
0x11: {  	s11 =	simm.s32 $0xB100;
	s9 =	sadd.s32 s9, s29;
	[dreg:$0x9] =	wrdreg s31  }
0x12: {  	v2 =	vlaneseq.u32;
	s6 =	sadd.s32 $0x100700, s0;
	s0 =	sadd.s32 s10, s29;
	[dreg:$0x6] =	wrdreg s9  }
0x13: {  	vm0 =	vmmov $0xffff;
	v1 =	vshrl.u32 v2, $0x3;
	s10 =	simm.s32 $0xA100;
	[dreg:$0x7] =	wrdreg s0;
	s0 =	sadd.s32 s2, s30  }
0x14: {  	v0 =	vand.u32 $0x7, v2;
	v2 =	vor.u32 $0x8, v2;
	v1 =	vmul.u32 $0x8, v1;
	s26 =	simm.s32 $0x0;
	s9 =	simm.s32 $0x9900;
	[dreg:$0x8] =	wrdreg s0  }
.LBB2_1:
0x15: {  	s0 =	rddreg [dreg:$0x3]  }
0x16: {  	[tilespmem:s1], [sflag:$0x3] =	stream.linear.gather [hbm4b:s0+s1], $0x20, $0x38;
	[tilespmem:$0x10100] =	vst v63  }
0x17: {  	_ =	swait.ge [sflag:s14], $0x20  }
0x18: {  	[sflag:s14] =	ssyncset.done $0x0  }
0x19: {  	s2 =	simm.s32 $0x80;
	s4 =	rddreg [dreg:$0x4];
	[sflag:s14] =	ssyncadd.s32 $0xFFFFFFE0  }
0x1a: {  	[tilespmem:s2], [sflag:$0x3] =	stream.linear.gather [hbm4b:s4+s1], $0x20, $0x38;
	[tilespmem:$0x10100] =	vst v63  }
0x1b: {  	_ =	swait.ge [sflag:s14], $0x20  }
0x1c: {  	[sflag:s14] =	ssyncset.done $0x0  }
0x1d: {  	[sflag:s14] =	ssyncadd.s32 $0xFFFFFFE0  }
0x1e: {  	v3 =	vld [tilespmem:$0x0];
	_ =	sdelay $0x4  }
0x1f: {  	v4 =	vshll.u32 v3, $0x3  }
0x20: {  	v3 =	vand.u32 $0x7, v3;
	v4 =	vand.u32 $0xFFFFFFC0, v4  }
0x21: {  	v3 =	vor.u32 v3, v4  }
0x22: {  	v4 =	vperm.xlane v3, v0;
	_ =	sdelay $0x1  }
0x23: {  	v4 =	vadd.s32 v1, v4;
	_ =	sdelay $0x4  }
0x24: {  	[tilespmem:s16], [sflag:$0x1] =	stream.indirect_vreg.gather [hbm4b:s3+s1], $0x80, v4, vm0, $0xb8;
	[tilespmem:$0x10100] =	vst v63  }
0x25: {  	s5 =	simm.s32 $0x900;
	v3 =	vperm.xlane v3, v2  }
0x26: {  	[tilespmem:s5], [sflag:$0x1] =	stream.indirect_vreg.gather [hbm4b:s6+s1], $0x80, v4, vm0, $0xb8;
	[tilespmem:$0x10100] =	vst v63  }
0x27: {  	s2 =	simm.s32 $0x1100;
	v3 =	vadd.s32 v1, v3  }
0x28: {  	[tilespmem:s2], [sflag:$0x1] =	stream.indirect_vreg.gather [hbm4b:s7+s1], $0x80, v4, vm0, $0xb8;
	[tilespmem:$0x10100] =	vst v63  }
0x29: {  	s4 =	simm.s32 $0x1900  }
0x2a: {  	[tilespmem:s4], [sflag:$0x1] =	stream.indirect_vreg.gather [hbm4b:s8+s1], $0x80, v4, vm0, $0xb8;
	[tilespmem:$0x10100] =	vst v63  }
0x2b: {  	s5 =	simm.s32 $0x2100  }
0x2c: {  	[tilespmem:s5], [sflag:$0x1] =	stream.indirect_vreg.gather [hbm4b:s3+s1], $0x80, v3, vm0, $0xb8;
	[tilespmem:$0x10100] =	vst v63  }
0x2d: {  	s2 =	simm.s32 $0x2900  }
0x2e: {  	[tilespmem:s2], [sflag:$0x1] =	stream.indirect_vreg.gather [hbm4b:s6+s1], $0x80, v3, vm0, $0xb8;
	[tilespmem:$0x10100] =	vst v63  }
0x2f: {  	s4 =	simm.s32 $0x3100  }
0x30: {  	[tilespmem:s4], [sflag:$0x1] =	stream.indirect_vreg.gather [hbm4b:s7+s1], $0x80, v3, vm0, $0xb8;
	[tilespmem:$0x10100] =	vst v63  }
0x31: {  	s5 =	simm.s32 $0x3900  }
0x32: {  	[tilespmem:s5], [sflag:$0x1] =	stream.indirect_vreg.gather [hbm4b:s8+s1], $0x80, v3, vm0, $0xb8;
	[tilespmem:$0x10100] =	vst v63  }
0x33: {  	v3 =	vld [tilespmem:$0x10];
	_ =	sdelay $0x4  }
0x34: {  	v4 =	vshll.u32 v3, $0x3  }
0x35: {  	v3 =	vand.u32 $0x7, v3;
	v4 =	vand.u32 $0xFFFFFFC0, v4  }
0x36: {  	v3 =	vor.u32 v3, v4  }
0x37: {  	v4 =	vperm.xlane v3, v0;
	_ =	sdelay $0x1  }
0x38: {  	v4 =	vadd.s32 v1, v4;
	_ =	sdelay $0x3  }
0x39: {  	s2 =	simm.s32 $0x4100  }
0x3a: {  	[tilespmem:s2], [sflag:$0x1] =	stream.indirect_vreg.gather [hbm4b:s3+s1], $0x80, v4, vm0, $0xb8;
	[tilespmem:$0x10100] =	vst v63  }
0x3b: {  	s4 =	simm.s32 $0x4900;
	v3 =	vperm.xlane v3, v2  }
0x3c: {  	[tilespmem:s4], [sflag:$0x1] =	stream.indirect_vreg.gather [hbm4b:s6+s1], $0x80, v4, vm0, $0xb8;
	[tilespmem:$0x10100] =	vst v63  }
0x3d: {  	s5 =	simm.s32 $0x5100;
	v3 =	vadd.s32 v1, v3  }
0x3e: {  	[tilespmem:s5], [sflag:$0x1] =	stream.indirect_vreg.gather [hbm4b:s7+s1], $0x80, v4, vm0, $0xb8;
	[tilespmem:$0x10100] =	vst v63  }
0x3f: {  	s2 =	simm.s32 $0x5900  }
0x40: {  	[tilespmem:s2], [sflag:$0x1] =	stream.indirect_vreg.gather [hbm4b:s8+s1], $0x80, v4, vm0, $0xb8;
	[tilespmem:$0x10100] =	vst v63  }
0x41: {  	s4 =	simm.s32 $0x6100  }
0x42: {  	[tilespmem:s4], [sflag:$0x1] =	stream.indirect_vreg.gather [hbm4b:s3+s1], $0x80, v3, vm0, $0xb8;
	[tilespmem:$0x10100] =	vst v63  }
0x43: {  	s5 =	simm.s32 $0x6900  }
0x44: {  	[tilespmem:s5], [sflag:$0x1] =	stream.indirect_vreg.gather [hbm4b:s6+s1], $0x80, v3, vm0, $0xb8;
	[tilespmem:$0x10100] =	vst v63  }
0x45: {  	s2 =	simm.s32 $0x7100  }
0x46: {  	[tilespmem:s2], [sflag:$0x1] =	stream.indirect_vreg.gather [hbm4b:s7+s1], $0x80, v3, vm0, $0xb8;
	[tilespmem:$0x10100] =	vst v63  }
0x47: {  	s4 =	simm.s32 $0x7900  }
0x48: {  	[tilespmem:s4], [sflag:$0x1] =	stream.indirect_vreg.gather [hbm4b:s8+s1], $0x80, v3, vm0, $0xb8;
	[tilespmem:$0x10100] =	vst v63  }
0x49: {  	v3 =	vld [tilespmem:$0x80];
	_ =	sdelay $0x4  }
0x4a: {  	v4 =	vshll.u32 v3, $0x3  }
0x4b: {  	v3 =	vand.u32 $0x7, v3;
	v4 =	vand.u32 $0xFFFFFFC0, v4  }
0x4c: {  	v3 =	vor.u32 v3, v4  }
0x4d: {  	v4 =	vperm.xlane v3, v0;
	_ =	sdelay $0x1  }
0x4e: {  	v4 =	vadd.s32 v1, v4;
	_ =	sdelay $0x3  }
0x4f: {  	s5 =	simm.s32 $0x8100  }
0x50: {  	[tilespmem:s5], [sflag:$0x2] =	stream.indirect_vreg.gather [hbm4b:s3+s1], $0x80, v4, vm0, $0xb8;
	[tilespmem:$0x10100] =	vst v63  }
0x51: {  	s2 =	simm.s32 $0x8900;
	v3 =	vperm.xlane v3, v2  }
0x52: {  	[tilespmem:s2], [sflag:$0x2] =	stream.indirect_vreg.gather [hbm4b:s6+s1], $0x80, v4, vm0, $0xb8;
	[tilespmem:$0x10100] =	vst v63  }
0x53: {  	s4 =	simm.s32 $0x9100;
	v3 =	vadd.s32 v1, v3  }
0x54: {  	[tilespmem:s4], [sflag:$0x2] =	stream.indirect_vreg.gather [hbm4b:s7+s1], $0x80, v4, vm0, $0xb8;
	[tilespmem:$0x10100] =	vst v63  }
0x55: {  	_ = 	snop  }
0x56: {  	[tilespmem:s9], [sflag:$0x2] =	stream.indirect_vreg.gather [hbm4b:s8+s1], $0x80, v4, vm0, $0xb8;
	[tilespmem:$0x10100] =	vst v63  }
0x57: {  	_ = 	snop  }
0x58: {  	[tilespmem:s10], [sflag:$0x2] =	stream.indirect_vreg.gather [hbm4b:s3+s1], $0x80, v3, vm0, $0xb8;
	[tilespmem:$0x10100] =	vst v63  }
0x59: {  	_ = 	snop  }
0x5a: {  	[tilespmem:s15], [sflag:$0x2] =	stream.indirect_vreg.gather [hbm4b:s6+s1], $0x80, v3, vm0, $0xb8;
	[tilespmem:$0x10100] =	vst v63  }
0x5b: {  	_ = 	snop  }
0x5c: {  	[tilespmem:s11], [sflag:$0x2] =	stream.indirect_vreg.gather [hbm4b:s7+s1], $0x80, v3, vm0, $0xb8;
	[tilespmem:$0x10100] =	vst v63  }
0x5d: {  	_ = 	snop  }
0x5e: {  	[tilespmem:s17], [sflag:$0x2] =	stream.indirect_vreg.gather [hbm4b:s8+s1], $0x80, v3, vm0, $0xb8;
	[tilespmem:$0x10100] =	vst v63  }
0x5f: {  	v3 =	vld [tilespmem:$0x90];
	_ =	sdelay $0x4  }
0x60: {  	v4 =	vshll.u32 v3, $0x3  }
0x61: {  	v3 =	vand.u32 $0x7, v3;
	v4 =	vand.u32 $0xFFFFFFC0, v4  }
0x62: {  	v3 =	vor.u32 v3, v4  }
0x63: {  	v4 =	vperm.xlane v3, v0;
	_ =	sdelay $0x1  }
0x64: {  	v4 =	vadd.s32 v1, v4;
	_ =	sdelay $0x4  }
0x65: {  	[tilespmem:s12], [sflag:$0x2] =	stream.indirect_vreg.gather [hbm4b:s3+s1], $0x80, v4, vm0, $0xb8;
	[tilespmem:$0x10100] =	vst v63  }
0x66: {  	v3 =	vperm.xlane v3, v2  }
0x67: {  	[tilespmem:s18], [sflag:$0x2] =	stream.indirect_vreg.gather [hbm4b:s6+s1], $0x80, v4, vm0, $0xb8;
	[tilespmem:$0x10100] =	vst v63  }
0x68: {  	v3 =	vadd.s32 v1, v3  }
0x69: {  	[tilespmem:s13], [sflag:$0x2] =	stream.indirect_vreg.gather [hbm4b:s7+s1], $0x80, v4, vm0, $0xb8;
	[tilespmem:$0x10100] =	vst v63  }
0x6a: {  	_ = 	snop  }
0x6b: {  	[tilespmem:s19], [sflag:$0x2] =	stream.indirect_vreg.gather [hbm4b:s8+s1], $0x80, v4, vm0, $0xb8;
	[tilespmem:$0x10100] =	vst v63  }
0x6c: {  	_ = 	snop  }
0x6d: {  	[tilespmem:s20], [sflag:$0x2] =	stream.indirect_vreg.gather [hbm4b:s3+s1], $0x80, v3, vm0, $0xb8;
	[tilespmem:$0x10100] =	vst v63  }
0x6e: {  	_ = 	snop  }
0x6f: {  	[tilespmem:s21], [sflag:$0x2] =	stream.indirect_vreg.gather [hbm4b:s6+s1], $0x80, v3, vm0, $0xb8;
	[tilespmem:$0x10100] =	vst v63  }
0x70: {  	_ = 	snop  }
0x71: {  	[tilespmem:s22], [sflag:$0x2] =	stream.indirect_vreg.gather [hbm4b:s7+s1], $0x80, v3, vm0, $0xb8;
	[tilespmem:$0x10100] =	vst v63  }
0x72: {  	_ = 	snop  }
0x73: {  	[tilespmem:s23], [sflag:$0x2] =	stream.indirect_vreg.gather [hbm4b:s8+s1], $0x80, v3, vm0, $0xb8;
	[tilespmem:$0x10100] =	vst v63  }
0x74: {  	_ =	swait.ge [sflag:s24], $0x8000  }
0x75: {  	s28 =	simm.s32 $0x0;
	s0 =	sand.u32 $0x70, s1;
	[sflag:s24] =	ssyncset.done $0x0  }
0x76: {  	s5 =	simm.s32 $0x0;
	s4 =	sand.u32 $0x1C00, s1;
	[sflag:s24] =	ssyncadd.s32 $0xFFFF8000  }
0x77: {  	s2 =	sand.u32 $0x6000, s5;
	s0 =	sor.u32 s4, s0;
	_ =	swait.ge [sflag:s25], $0x8000  }
0x78: {  	s5 =	sand.u32 $0x380, s28;
	s0 =	sor.u32 s2, s0;
	[sflag:s25] =	ssyncset.done $0x0  }
0x79: {  	s28 =	sor.u32 s5, s0;
	[sflag:s25] =	ssyncadd.s32 $0xFFFF8000  }
0x7a: {  	v3 =	vld [tilespmem:s28+$0x8100]  }
0x7b: {  	v4 =	vld [tilespmem:s28+$0x100]  }
0x7c: {  	s29 =	simm.s32 $0x10;
	s30 =	simm.s32 $0x80  }
0x7d: {  	s31 =	sand.u32 $0x1C00, s30;
	s4 =	sand.u32 $0x70, s29  }
0x7e: {  	s4 =	sor.u32 s31, s4;
	s5 =	simm.s32 $0x10  }
0x7f: {  	s31 =	simm.s32 $0x2;
	s0 =	simm.s32 $0x2;
	s2 =	sand.u32 $0x6000, s5  }
.LBB2_2:
0x80: {  	p0 =	sne.s32 s31, $0x7FF;
	s0 =	sand.u32 $0x380, s0;
	s2 =	sor.u32 s2, s4;
	v4 =	vadd.f32 v3, v4  }
0x81: {  	s0 =	sor.u32 s0, s2  }
0x82: {  	v3 =	vld [tilespmem:s0+$0x8100];
	[tilespmem:s28+$0x100] =	vst v4;
	s28 =	smov.u32 s0  }
.Ltmp0:
0x83: {  	v4 =	vld [tilespmem:s28+$0x100];
	(pc) =	sbr.rel @p0 .LBB2_2-.Ltmp0, $4  }
0x84: {  	_ = 	snop  }
0x85: {  	s29 =	sadd.s32 $0x10, s29;
	s30 =	sadd.s32 $0x80, s30;
	s0 =	sshll.u32 s31, $0x1  }
0x86: {  	s4 =	sand.u32 $0x70, s29;
	s2 =	sshll.u32 s31, $0x4;
	s5 =	sand.u32 $0x1C00, s30  }
0x87: {  	s2 =	sand.u32 $0x6000, s2;
	s4 =	sor.u32 s5, s4;
	s31 =	sadd.s32 $0x1, s31  }
0x88: {  	s0 =	sand.u32 $0x380, s0;
	s2 =	sor.u32 s2, s4;
	v3 =	vadd.f32 v3, v4  }
0x89: {  	s0 =	sor.u32 s0, s2  }
0x8a: {  	v4 =	vld [tilespmem:s0+$0x8100];
	[tilespmem:s28+$0x100] =	vst v3  }
0x8b: {  	v3 =	vld [tilespmem:s0+$0x100];
	_ =	sdelay $0x4  }
0x8c: {  	v3 =	vadd.f32 v4, v3;
	_ =	sdelay $0x1  }
0x8d: {  	s4 =	rddreg [dreg:$0x5];
	s28 =	simm.s32 $0x0;
	[tilespmem:s0+$0x100] =	vst v3  }
0x8e: {  	[hbm4b:s4+s28] =	stream.linear.scatter [tilespmem:s16], [sflag:$0x3], $0x8000, $0x38;
	[tilespmem:$0x10100] =	vst v63  }
0x8f: {  	_ =	swait.ge [sflag:s14], $0x8000  }
0x90: {  	[sflag:s14] =	ssyncset.done $0x0  }
0x91: {  	s5 =	rddreg [dreg:$0x6];
	[sflag:s14] =	ssyncadd.s32 $0xFFFF8000  }
0x92: {  	[tilespmem:s28], [sflag:$0x3] =	stream.linear.gather [hbm4b:s5+s28], $0x20, $0x38;
	[tilespmem:$0x10100] =	vst v63  }
0x93: {  	_ =	swait.ge [sflag:s14], $0x20  }
0x94: {  	[sflag:s14] =	ssyncset.done $0x0  }
0x95: {  	s4 =	simm.s32 $0x80;
	s2 =	rddreg [dreg:$0x7];
	[sflag:s14] =	ssyncadd.s32 $0xFFFFFFE0  }
0x96: {  	[tilespmem:s4], [sflag:$0x3] =	stream.linear.gather [hbm4b:s2+s28], $0x20, $0x38;
	[tilespmem:$0x10100] =	vst v63  }
0x97: {  	_ =	swait.ge [sflag:s14], $0x20  }
0x98: {  	[sflag:s14] =	ssyncset.done $0x0  }
0x99: {  	[sflag:s14] =	ssyncadd.s32 $0xFFFFFFE0  }
0x9a: {  	v3 =	vld [tilespmem:$0x0];
	_ =	sdelay $0x4  }
0x9b: {  	v4 =	vshll.u32 v3, $0x3  }
0x9c: {  	v3 =	vand.u32 $0x7, v3;
	v4 =	vand.u32 $0xFFFFFFC0, v4  }
0x9d: {  	v3 =	vor.u32 v3, v4  }
0x9e: {  	v4 =	vperm.xlane v3, v0;
	_ =	sdelay $0x1  }
0x9f: {  	v4 =	vadd.s32 v1, v4;
	_ =	sdelay $0x4  }
0xa0: {  	[tilespmem:s16], [sflag:$0x1] =	stream.indirect_vreg.gather [hbm4b:s3+s28], $0x80, v4, vm0, $0xb8;
	[tilespmem:$0x10100] =	vst v63  }
0xa1: {  	s5 =	simm.s32 $0x900;
	v3 =	vperm.xlane v3, v2  }
0xa2: {  	[tilespmem:s5], [sflag:$0x1] =	stream.indirect_vreg.gather [hbm4b:s6+s28], $0x80, v4, vm0, $0xb8;
	[tilespmem:$0x10100] =	vst v63  }
0xa3: {  	s2 =	simm.s32 $0x1100;
	v3 =	vadd.s32 v1, v3  }
0xa4: {  	[tilespmem:s2], [sflag:$0x1] =	stream.indirect_vreg.gather [hbm4b:s7+s28], $0x80, v4, vm0, $0xb8;
	[tilespmem:$0x10100] =	vst v63  }
0xa5: {  	s4 =	simm.s32 $0x1900  }
0xa6: {  	[tilespmem:s4], [sflag:$0x1] =	stream.indirect_vreg.gather [hbm4b:s8+s28], $0x80, v4, vm0, $0xb8;
	[tilespmem:$0x10100] =	vst v63  }
0xa7: {  	s5 =	simm.s32 $0x2100  }
0xa8: {  	[tilespmem:s5], [sflag:$0x1] =	stream.indirect_vreg.gather [hbm4b:s3+s28], $0x80, v3, vm0, $0xb8;
	[tilespmem:$0x10100] =	vst v63  }
0xa9: {  	s2 =	simm.s32 $0x2900  }
0xaa: {  	[tilespmem:s2], [sflag:$0x1] =	stream.indirect_vreg.gather [hbm4b:s6+s28], $0x80, v3, vm0, $0xb8;
	[tilespmem:$0x10100] =	vst v63  }
0xab: {  	s4 =	simm.s32 $0x3100  }
0xac: {  	[tilespmem:s4], [sflag:$0x1] =	stream.indirect_vreg.gather [hbm4b:s7+s28], $0x80, v3, vm0, $0xb8;
	[tilespmem:$0x10100] =	vst v63  }
0xad: {  	s5 =	simm.s32 $0x3900  }
0xae: {  	[tilespmem:s5], [sflag:$0x1] =	stream.indirect_vreg.gather [hbm4b:s8+s28], $0x80, v3, vm0, $0xb8;
	[tilespmem:$0x10100] =	vst v63  }
0xaf: {  	v3 =	vld [tilespmem:$0x10];
	_ =	sdelay $0x4  }
0xb0: {  	v4 =	vshll.u32 v3, $0x3  }
0xb1: {  	v3 =	vand.u32 $0x7, v3;
	v4 =	vand.u32 $0xFFFFFFC0, v4  }
0xb2: {  	v3 =	vor.u32 v3, v4  }
0xb3: {  	v4 =	vperm.xlane v3, v0;
	_ =	sdelay $0x1  }
0xb4: {  	v4 =	vadd.s32 v1, v4;
	_ =	sdelay $0x3  }
0xb5: {  	s2 =	simm.s32 $0x4100  }
0xb6: {  	[tilespmem:s2], [sflag:$0x1] =	stream.indirect_vreg.gather [hbm4b:s3+s28], $0x80, v4, vm0, $0xb8;
	[tilespmem:$0x10100] =	vst v63  }
0xb7: {  	s4 =	simm.s32 $0x4900;
	v3 =	vperm.xlane v3, v2  }
0xb8: {  	[tilespmem:s4], [sflag:$0x1] =	stream.indirect_vreg.gather [hbm4b:s6+s28], $0x80, v4, vm0, $0xb8;
	[tilespmem:$0x10100] =	vst v63  }
0xb9: {  	s5 =	simm.s32 $0x5100;
	v3 =	vadd.s32 v1, v3  }
0xba: {  	[tilespmem:s5], [sflag:$0x1] =	stream.indirect_vreg.gather [hbm4b:s7+s28], $0x80, v4, vm0, $0xb8;
	[tilespmem:$0x10100] =	vst v63  }
0xbb: {  	s2 =	simm.s32 $0x5900  }
0xbc: {  	[tilespmem:s2], [sflag:$0x1] =	stream.indirect_vreg.gather [hbm4b:s8+s28], $0x80, v4, vm0, $0xb8;
	[tilespmem:$0x10100] =	vst v63  }
0xbd: {  	s4 =	simm.s32 $0x6100  }
0xbe: {  	[tilespmem:s4], [sflag:$0x1] =	stream.indirect_vreg.gather [hbm4b:s3+s28], $0x80, v3, vm0, $0xb8;
	[tilespmem:$0x10100] =	vst v63  }
0xbf: {  	s5 =	simm.s32 $0x6900  }
0xc0: {  	[tilespmem:s5], [sflag:$0x1] =	stream.indirect_vreg.gather [hbm4b:s6+s28], $0x80, v3, vm0, $0xb8;
	[tilespmem:$0x10100] =	vst v63  }
0xc1: {  	s2 =	simm.s32 $0x7100  }
0xc2: {  	[tilespmem:s2], [sflag:$0x1] =	stream.indirect_vreg.gather [hbm4b:s7+s28], $0x80, v3, vm0, $0xb8;
	[tilespmem:$0x10100] =	vst v63  }
0xc3: {  	s4 =	simm.s32 $0x7900  }
0xc4: {  	[tilespmem:s4], [sflag:$0x1] =	stream.indirect_vreg.gather [hbm4b:s8+s28], $0x80, v3, vm0, $0xb8;
	[tilespmem:$0x10100] =	vst v63  }
0xc5: {  	v3 =	vld [tilespmem:$0x80];
	_ =	sdelay $0x4  }
0xc6: {  	v4 =	vshll.u32 v3, $0x3  }
0xc7: {  	v3 =	vand.u32 $0x7, v3;
	v4 =	vand.u32 $0xFFFFFFC0, v4  }
0xc8: {  	v3 =	vor.u32 v3, v4  }
0xc9: {  	v4 =	vperm.xlane v3, v0;
	_ =	sdelay $0x1  }
0xca: {  	v4 =	vadd.s32 v1, v4;
	_ =	sdelay $0x3  }
0xcb: {  	s5 =	simm.s32 $0x8100  }
0xcc: {  	[tilespmem:s5], [sflag:$0x2] =	stream.indirect_vreg.gather [hbm4b:s3+s28], $0x80, v4, vm0, $0xb8;
	[tilespmem:$0x10100] =	vst v63  }
0xcd: {  	s2 =	simm.s32 $0x8900;
	v3 =	vperm.xlane v3, v2  }
0xce: {  	[tilespmem:s2], [sflag:$0x2] =	stream.indirect_vreg.gather [hbm4b:s6+s28], $0x80, v4, vm0, $0xb8;
	[tilespmem:$0x10100] =	vst v63  }
0xcf: {  	s4 =	simm.s32 $0x9100;
	v3 =	vadd.s32 v1, v3  }
0xd0: {  	[tilespmem:s4], [sflag:$0x2] =	stream.indirect_vreg.gather [hbm4b:s7+s28], $0x80, v4, vm0, $0xb8;
	[tilespmem:$0x10100] =	vst v63  }
0xd1: {  	_ = 	snop  }
0xd2: {  	[tilespmem:s9], [sflag:$0x2] =	stream.indirect_vreg.gather [hbm4b:s8+s28], $0x80, v4, vm0, $0xb8;
	[tilespmem:$0x10100] =	vst v63  }
0xd3: {  	_ = 	snop  }
0xd4: {  	[tilespmem:s10], [sflag:$0x2] =	stream.indirect_vreg.gather [hbm4b:s3+s28], $0x80, v3, vm0, $0xb8;
	[tilespmem:$0x10100] =	vst v63  }
0xd5: {  	_ = 	snop  }
0xd6: {  	[tilespmem:s15], [sflag:$0x2] =	stream.indirect_vreg.gather [hbm4b:s6+s28], $0x80, v3, vm0, $0xb8;
	[tilespmem:$0x10100] =	vst v63  }
0xd7: {  	_ = 	snop  }
0xd8: {  	[tilespmem:s11], [sflag:$0x2] =	stream.indirect_vreg.gather [hbm4b:s7+s28], $0x80, v3, vm0, $0xb8;
	[tilespmem:$0x10100] =	vst v63  }
0xd9: {  	_ = 	snop  }
0xda: {  	[tilespmem:s17], [sflag:$0x2] =	stream.indirect_vreg.gather [hbm4b:s8+s28], $0x80, v3, vm0, $0xb8;
	[tilespmem:$0x10100] =	vst v63  }
0xdb: {  	v3 =	vld [tilespmem:$0x90];
	_ =	sdelay $0x4  }
0xdc: {  	v4 =	vshll.u32 v3, $0x3  }
0xdd: {  	v3 =	vand.u32 $0x7, v3;
	v4 =	vand.u32 $0xFFFFFFC0, v4  }
0xde: {  	v3 =	vor.u32 v3, v4  }
0xdf: {  	v4 =	vperm.xlane v3, v0;
	_ =	sdelay $0x1  }
0xe0: {  	v4 =	vadd.s32 v1, v4;
	_ =	sdelay $0x4  }
0xe1: {  	[tilespmem:s12], [sflag:$0x2] =	stream.indirect_vreg.gather [hbm4b:s3+s28], $0x80, v4, vm0, $0xb8;
	[tilespmem:$0x10100] =	vst v63  }
0xe2: {  	v3 =	vperm.xlane v3, v2  }
0xe3: {  	[tilespmem:s18], [sflag:$0x2] =	stream.indirect_vreg.gather [hbm4b:s6+s28], $0x80, v4, vm0, $0xb8;
	[tilespmem:$0x10100] =	vst v63  }
0xe4: {  	v3 =	vadd.s32 v1, v3  }
0xe5: {  	[tilespmem:s13], [sflag:$0x2] =	stream.indirect_vreg.gather [hbm4b:s7+s28], $0x80, v4, vm0, $0xb8;
	[tilespmem:$0x10100] =	vst v63  }
0xe6: {  	_ = 	snop  }
0xe7: {  	[tilespmem:s19], [sflag:$0x2] =	stream.indirect_vreg.gather [hbm4b:s8+s28], $0x80, v4, vm0, $0xb8;
	[tilespmem:$0x10100] =	vst v63  }
0xe8: {  	_ = 	snop  }
0xe9: {  	[tilespmem:s20], [sflag:$0x2] =	stream.indirect_vreg.gather [hbm4b:s3+s28], $0x80, v3, vm0, $0xb8;
	[tilespmem:$0x10100] =	vst v63  }
0xea: {  	_ = 	snop  }
0xeb: {  	[tilespmem:s21], [sflag:$0x2] =	stream.indirect_vreg.gather [hbm4b:s6+s28], $0x80, v3, vm0, $0xb8;
	[tilespmem:$0x10100] =	vst v63  }
0xec: {  	_ = 	snop  }
0xed: {  	[tilespmem:s22], [sflag:$0x2] =	stream.indirect_vreg.gather [hbm4b:s7+s28], $0x80, v3, vm0, $0xb8;
	[tilespmem:$0x10100] =	vst v63  }
0xee: {  	_ = 	snop  }
0xef: {  	[tilespmem:s23], [sflag:$0x2] =	stream.indirect_vreg.gather [hbm4b:s8+s28], $0x80, v3, vm0, $0xb8;
	[tilespmem:$0x10100] =	vst v63  }
0xf0: {  	_ =	swait.ge [sflag:s24], $0x8000  }
0xf1: {  	s0 =	sand.u32 $0x70, s28;
	s5 =	simm.s32 $0x0;
	[sflag:s24] =	ssyncset.done $0x0  }
0xf2: {  	s2 =	simm.s32 $0x0;
	s4 =	sand.u32 $0x1C00, s28;
	[sflag:s24] =	ssyncadd.s32 $0xFFFF8000  }
0xf3: {  	s2 =	sand.u32 $0x6000, s2;
	s0 =	sor.u32 s4, s0;
	_ =	swait.ge [sflag:s25], $0x8000  }
0xf4: {  	s5 =	sand.u32 $0x380, s5;
	s0 =	sor.u32 s2, s0;
	[sflag:s25] =	ssyncset.done $0x0  }
0xf5: {  	s28 =	sor.u32 s5, s0;
	[sflag:s25] =	ssyncadd.s32 $0xFFFF8000  }
0xf6: {  	v3 =	vld [tilespmem:s28+$0x8100]  }
0xf7: {  	v4 =	vld [tilespmem:s28+$0x100];
	_ =	sdelay $0x1  }
0xf8: {  	s29 =	simm.s32 $0x10;
	s30 =	simm.s32 $0x80;
	s31 =	simm.s32 $0x2  }
0xf9: {  	s4 =	sand.u32 $0x70, s29;
	s2 =	simm.s32 $0x10;
	s5 =	sand.u32 $0x1C00, s30  }
0xfa: {  	s2 =	sand.u32 $0x6000, s2;
	s0 =	simm.s32 $0x2;
	s4 =	sor.u32 s5, s4  }
.LBB2_4:
0xfb: {  	p0 =	sne.s32 s31, $0x7FF;
	s0 =	sand.u32 $0x380, s0;
	s2 =	sor.u32 s2, s4;
	v4 =	vadd.f32 v3, v4  }
0xfc: {  	s0 =	sor.u32 s0, s2  }
0xfd: {  	v3 =	vld [tilespmem:s0+$0x8100];
	[tilespmem:s28+$0x100] =	vst v4;
	s28 =	smov.u32 s0  }
.Ltmp1:
0xfe: {  	v4 =	vld [tilespmem:s28+$0x100];
	(pc) =	sbr.rel @p0 .LBB2_4-.Ltmp1, $4  }
0xff: {  	_ = 	snop  }
0x100: {  	s29 =	sadd.s32 $0x10, s29;
	s30 =	sadd.s32 $0x80, s30;
	s0 =	sshll.u32 s31, $0x1  }
0x101: {  	s4 =	sand.u32 $0x70, s29;
	s2 =	sshll.u32 s31, $0x4;
	s5 =	sand.u32 $0x1C00, s30  }
0x102: {  	s2 =	sand.u32 $0x6000, s2;
	s4 =	sor.u32 s5, s4;
	s31 =	sadd.s32 $0x1, s31  }
0x103: {  	s0 =	sand.u32 $0x380, s0;
	s2 =	sor.u32 s2, s4;
	v3 =	vadd.f32 v3, v4  }
0x104: {  	s0 =	sor.u32 s0, s2  }
0x105: {  	v63 =	vld [tilespmem:s0+$0x8100];
	[tilespmem:s28+$0x100] =	vst v3  }
0x106: {  	v3 =	vld [tilespmem:s0+$0x100];
	_ =	sdelay $0x4  }
0x107: {  	v3 =	vadd.f32 v63, v3;
	_ =	sdelay $0x1  }
0x108: {  	s30 =	rddreg [dreg:$0x8];
	[tilespmem:s0+$0x100] =	vst v3  }
0x109: {  	[hbm4b:s30+s1] =	stream.linear.scatter [tilespmem:s16], [sflag:$0x3], $0x8000, $0x38;
	[tilespmem:$0x10100] =	vst v63  }
0x10a: {  	_ =	swait.ge [sflag:s14], $0x8000  }
0x10b: {  	s26 =	sadd.s32 $0x1, s26;
	s31 =	rddreg [dreg:$0x9]  }
0x10c: {  	p0 =	sne.s32 s26, s31  }
.Ltmp2:
0x10d: {  	_ = 	snop;
	(pc) =	sbr.rel @p0 .LBB2_1-.Ltmp2, $3  }
0x10e: {  	_ =	sdelay $0x1  }
0x10f: {  	[sflag:s14] =	ssyncset.done $0x0  }
0x110: {  	[sflag:s14] =	ssyncadd.s32 $0xFFFF8000  }
0x111: {  	_ =	sfence.sel $0x180000  }
0x112: {  	[bflag:$0x0] =	sbarrier.arrive $0xFFFF  }
0x113: {  	_ =	strace $0x9000004A  }
0x114: {  	s0 =	stileid.u32;
	[bflag:$0x2] =	sbarrier.arrive $0xFFFF  }
0x115: {  	p0 =	sne.s32 s0, $0x0;
	s0 =	rddreg [dreg:$0x2]  }
0x116: {  	s0 =	sadd.s32 @!p0 $0x100000, s0  }
0x117: {  	[sflag:s0] =	ssyncadd.tile.s32 @!p0 $0x1;
	_ =	shalt  }
.Lfunc_end2:
_tile_overlayer_lowered:
.L_overlay_start_2:
0x118: {  	(tag) =	ssettag $0x2  }
0x119: {  	s0 =	rddreg [dreg:$0x0];
	s2 =	stileid.u32  }
0x11a: {  	s1 =	rddreg [dreg:$0x1];
	p0 =	sne.s32 s2, $0x0  }
0x11b: {  	s3 =	rddreg [dreg:$0x2];
	[bflag:$0x3] =	sbarrier.arrive $0xFFFF;
	s2 =	simm.s32 @!p0 $0x1C03  }
0x11c: {  	[timem:s3], [sflag:s2] =	dma.local @!p0 [hbm:s0], s1  }
0x11d: {  	s0 =	simm.s32 @!p0 $0x3  }
0x11e: {  	_ =	swait.ge @!p0 [sflag:s0], s1  }
0x11f: {  	s1 =	ssub.s32 @!p0 $0x0, s1;
	[sflag:s0] =	ssyncset.done @!p0 $0x0  }
0x120: {  	[sflag:s0] =	ssyncadd.s32 @!p0 s1  }
0x121: {  	[bflag:$0x3] =	sbarrier.arrive $0xFFFF  }
0x122: {  	_ =	shalt  }

</sc_bundles>
